<compile_context>
chip_gen: v7x
topology: tpu7x:2x2x1
jax: 0.10.2.dev20260603
libtpu: 0.0.44.dev20260713+nightly
codegen_flags: <defaults>
</compile_context>

<pallas_src>
import jax
import jax.numpy as jnp
from jax import lax
from jax.experimental import pallas as pl
from jax.experimental.pallas import tpu as pltpu
from jax.experimental.pallas import tpu_sc as plsc

_SEQ_LEN = 16384
_VOCAB = 1000
_PAD = 0

_NC = 2
_NS = 16
_L = 16
_NW = _NC * _NS
_TPW = _SEQ_LEN // _NW
_CC = 128
_NCHUNK = _TPW // _CC


def _one_hot_body(seq_hbm, vals_hbm, out_hbm, seq_v, vals_v, buf, sem):
    wid = lax.axis_index("s") * _NC + lax.axis_index("c")
    base = wid * _TPW

    in_copies = [
        pltpu.async_copy(seq_hbm.at[pl.ds(base, _TPW)], seq_v, sem),
        pltpu.async_copy(vals_hbm.at[pl.ds(base, _TPW)], vals_v, sem),
    ]

    zeros16 = jnp.zeros((_L,), jnp.float32)
    lane = lax.iota(jnp.int32, _L)

    def zbody(r8, carry):
        for dr in range(8):
            for c0 in range(0, _CC, _L):
                buf[r8 * 8 + dr, pl.ds(c0, _L)] = zeros16
        return carry

    lax.fori_loop(0, _VOCAB // 8, zbody, 0)
    for cp in in_copies:
        cp.wait()

    def scatter(c, value16):
        def body(g, inner):
            r0 = c * _CC + g * _L
            seq16 = seq_v[pl.ds(r0, _L)]
            v16 = value16 if value16 is not None else vals_v[pl.ds(r0, _L)]
            cols16 = g * _L + lane
            plsc.store_scatter(buf, [seq16, cols16], v16,
                               mask=seq16 != _PAD)
            return inner

        lax.fori_loop(0, _CC // _L, body, 0)

    def cbody(c, carry):
        scatter(c, None)
        pltpu.sync_copy(buf, out_hbm.at[:, pl.ds(base + c * _CC, _CC)])
        scatter(c, zeros16)
        return carry

    lax.fori_loop(0, _NCHUNK, cbody, 0)


@jax.jit
def kernel(sequence, vals):
    mesh = plsc.VectorSubcoreMesh(core_axis_name="c", subcore_axis_name="s")
    out_t = pl.kernel(
        _one_hot_body,
        mesh=mesh,
        compiler_params=pltpu.CompilerParams(
            needs_layout_passes=False, use_tc_tiling_on_sc=True),
        out_type=jax.ShapeDtypeStruct((_VOCAB, _SEQ_LEN), jnp.float32),
        scratch_types=[
            pltpu.VMEM((_TPW,), jnp.int32),
            pltpu.VMEM((_TPW,), jnp.float32),
            pltpu.VMEM((_VOCAB, _CC), jnp.float32),
            pltpu.SemaphoreType.DMA,
        ],
    )(sequence, vals)
    return out_t.T

# --- scband reference (transcript-rebuilt; emitter-appended) ---
"""Pipeline reference for scband-one-hot-encode-transform-46943992545443 (READ-ONLY COPY).

The authoritative reference and input builder live on the scoring server;
editing this copy changes nothing except your own understanding.
"""

import jax, jax.numpy as jnp
import numpy as np

SEQ_LEN = 16384
VOCAB = 1000
PAD_IDX = 0  # index of the padding token '<pad>' in the vocabulary


def setup_inputs(seed: int = 0) -> dict:
    key = jax.random.key(seed)
    k1, k2 = jax.random.split(key)
    # integer token ids standing in for the List[str] tokens; PAD_IDX marks '<pad>'
    sequence = jax.random.randint(k1, (SEQ_LEN,), 0, VOCAB, dtype=jnp.int32)
    # scatter source values (all ones), materialized as a float parameter so the
    # scatter maps onto a SparseCore-style scatter-overwrite
    vals = jnp.ones((SEQ_LEN,), dtype=jnp.float32)
    return {"sequence": sequence, "vals": vals}


def reference(sequence, vals):
    n = sequence.shape[0]
    rows = jnp.arange(n)
    # one_hot[i, vocabulary.index(token_i)] = 1  -> scatter-overwrite
    one_hot = jnp.zeros((n, VOCAB), dtype=jnp.float32)
    one_hot = one_hot.at[rows, sequence].set(vals)
    # rows whose token equals the padding token stay all-zero
    mask = (sequence != PAD_IDX).astype(jnp.float32)
    return one_hot * mask[:, None]

if __name__ == "__main__":
    import jax
    _d = setup_inputs()
    print(jax.jit(kernel)(*tuple(_d.values())))

</pallas_src>

<mosaic_0001>
#map = affine_map<(d0, d1) -> (0)>
#map1 = affine_map<(d0, d1) -> (0, 0)>
module attributes {stable_mosaic.version = 14 : i64} {
  func.func @_one_hot_body(%arg0: i32, %arg1: i32, %arg2: memref<16384xi32, #tpu.memory_space<hbm>>, %arg3: memref<16384xf32, #tpu.memory_space<hbm>>, %arg4: memref<1000x16384xf32, #tpu.memory_space<hbm>>, %arg5: memref<512xi32, #tpu.memory_space<vmem>>, %arg6: memref<512xf32, #tpu.memory_space<vmem>>, %arg7: memref<1000x128xf32, #tpu.memory_space<vmem>>, %arg8: memref<!tpu.dma_semaphore, #tpu.memory_space<semaphore_mem>>) attributes {dimension_semantics = [#tpu.dimension_semantics<core_parallel>, #tpu.dimension_semantics<subcore_parallel>], iteration_bounds = array<i64: 2, 16>, scalar_prefetch = 0 : i64, scratch_operands = 4 : i64, tpu.core_type = #tpu.core_type<sc_vector_subcore>, window_params = [{transform_indices = #map}, {transform_indices = #map}, {transform_indices = #map1}]} {
    %mul3A = arith.constant 2 : i32
    %mul3A_0 = arith.muli %arg1, %mul3A : i32
    %add3A = arith.addi %mul3A_0, %arg0 : i32
    %mul3A_1 = arith.constant 512 : i32
    %mul3A_2 = arith.muli %add3A, %mul3A_1 : i32
    %dma_start3A = tpu.memref_slice %arg2[%mul3A_2] : memref<16384xi32, #tpu.memory_space<hbm>> -> memref<512xi32, #tpu.memory_space<hbm>>
    %dma_start3A_3 = tpu.memref_slice %arg2[%mul3A_2] : memref<16384xi32, #tpu.memory_space<hbm>> -> memref<512xi32, #tpu.memory_space<hbm>>
    tpu.enqueue_dma source(%dma_start3A_3 : memref<512xi32, #tpu.memory_space<hbm>>) target(%arg5 : memref<512xi32, #tpu.memory_space<vmem>>) target_semaphore(%arg8 : memref<!tpu.dma_semaphore, #tpu.memory_space<semaphore_mem>>)
    %dma_start3A_4 = tpu.memref_slice %arg3[%mul3A_2] : memref<16384xf32, #tpu.memory_space<hbm>> -> memref<512xf32, #tpu.memory_space<hbm>>
    %dma_start3A_5 = tpu.memref_slice %arg3[%mul3A_2] : memref<16384xf32, #tpu.memory_space<hbm>> -> memref<512xf32, #tpu.memory_space<hbm>>
    tpu.enqueue_dma source(%dma_start3A_5 : memref<512xf32, #tpu.memory_space<hbm>>) target(%arg6 : memref<512xf32, #tpu.memory_space<vmem>>) target_semaphore(%arg8 : memref<!tpu.dma_semaphore, #tpu.memory_space<semaphore_mem>>)
    %broadcast_in_dim3A = arith.constant 0.000000e+00 : f32
    %broadcast_in_dim3A_6 = vector.broadcast %broadcast_in_dim3A : f32 to vector<16xf32>
    %iota3A = tpu.iota {dimensions = array<i32: 0>} : vector<16xi32>
    %scan3A = arith.constant 0 : i32
    %scan3A_7 = arith.constant 0 : i32
    %scan3A_8 = arith.constant 125 : i32
    %scan3A_9 = arith.addi %scan3A_7, %scan3A_8 : i32
    %scan3A_10 = arith.constant 1 : i32
    scf.for %scan3A_21 = %scan3A_7 to %scan3A_9 step %scan3A_10  : i32 {
      %mul3A_22 = arith.constant 8 : i32
      %mul3A_23 = arith.muli %scan3A_21, %mul3A_22 : i32
      %add3A_24 = arith.constant 0 : i32
      %add3A_25 = arith.addi %mul3A_23, %add3A_24 : i32
      %swap3A = arith.index_cast %add3A_25 : i32 to index
      %swap3A_26 = arith.constant 0 : index
      %swap3A_27 = tpu.vector_load %arg7[%swap3A, %swap3A_26] {strides = array<i32>} : memref<1000x128xf32, #tpu.memory_space<vmem>>, vector<16xf32>,
      tpu.vector_store %arg7[%swap3A, %swap3A_26], %broadcast_in_dim3A_6 {strides = array<i32>} : memref<1000x128xf32, #tpu.memory_space<vmem>>, vector<16xf32>,
      %mul3A_28 = arith.constant 8 : i32
      %mul3A_29 = arith.muli %scan3A_21, %mul3A_28 : i32
      %add3A_30 = arith.constant 0 : i32
      %add3A_31 = arith.addi %mul3A_29, %add3A_30 : i32
      %swap3A_32 = arith.index_cast %add3A_31 : i32 to index
      %swap3A_33 = arith.constant 16 : index
      %swap3A_34 = tpu.vector_load %arg7[%swap3A_32, %swap3A_33] {strides = array<i32>} : memref<1000x128xf32, #tpu.memory_space<vmem>>, vector<16xf32>,
      tpu.vector_store %arg7[%swap3A_32, %swap3A_33], %broadcast_in_dim3A_6 {strides = array<i32>} : memref<1000x128xf32, #tpu.memory_space<vmem>>, vector<16xf32>,
      %mul3A_35 = arith.constant 8 : i32
      %mul3A_36 = arith.muli %scan3A_21, %mul3A_35 : i32
      %add3A_37 = arith.constant 0 : i32
      %add3A_38 = arith.addi %mul3A_36, %add3A_37 : i32
      %swap3A_39 = arith.index_cast %add3A_38 : i32 to index
      %swap3A_40 = arith.constant 32 : index
      %swap3A_41 = tpu.vector_load %arg7[%swap3A_39, %swap3A_40] {strides = array<i32>} : memref<1000x128xf32, #tpu.memory_space<vmem>>, vector<16xf32>,
      tpu.vector_store %arg7[%swap3A_39, %swap3A_40], %broadcast_in_dim3A_6 {strides = array<i32>} : memref<1000x128xf32, #tpu.memory_space<vmem>>, vector<16xf32>,
      %mul3A_42 = arith.constant 8 : i32
      %mul3A_43 = arith.muli %scan3A_21, %mul3A_42 : i32
      %add3A_44 = arith.constant 0 : i32
      %add3A_45 = arith.addi %mul3A_43, %add3A_44 : i32
      %swap3A_46 = arith.index_cast %add3A_45 : i32 to index
      %swap3A_47 = arith.constant 48 : index
      %swap3A_48 = tpu.vector_load %arg7[%swap3A_46, %swap3A_47] {strides = array<i32>} : memref<1000x128xf32, #tpu.memory_space<vmem>>, vector<16xf32>,
      tpu.vector_store %arg7[%swap3A_46, %swap3A_47], %broadcast_in_dim3A_6 {strides = array<i32>} : memref<1000x128xf32, #tpu.memory_space<vmem>>, vector<16xf32>,
      %mul3A_49 = arith.constant 8 : i32
      %mul3A_50 = arith.muli %scan3A_21, %mul3A_49 : i32
      %add3A_51 = arith.constant 0 : i32
      %add3A_52 = arith.addi %mul3A_50, %add3A_51 : i32
      %swap3A_53 = arith.index_cast %add3A_52 : i32 to index
      %swap3A_54 = arith.constant 64 : index
      %swap3A_55 = tpu.vector_load %arg7[%swap3A_53, %swap3A_54] {strides = array<i32>} : memref<1000x128xf32, #tpu.memory_space<vmem>>, vector<16xf32>,
      tpu.vector_store %arg7[%swap3A_53, %swap3A_54], %broadcast_in_dim3A_6 {strides = array<i32>} : memref<1000x128xf32, #tpu.memory_space<vmem>>, vector<16xf32>,
      %mul3A_56 = arith.constant 8 : i32
      %mul3A_57 = arith.muli %scan3A_21, %mul3A_56 : i32
      %add3A_58 = arith.constant 0 : i32
      %add3A_59 = arith.addi %mul3A_57, %add3A_58 : i32
      %swap3A_60 = arith.index_cast %add3A_59 : i32 to index
      %swap3A_61 = arith.constant 80 : index
      %swap3A_62 = tpu.vector_load %arg7[%swap3A_60, %swap3A_61] {strides = array<i32>} : memref<1000x128xf32, #tpu.memory_space<vmem>>, vector<16xf32>,
      tpu.vector_store %arg7[%swap3A_60, %swap3A_61], %broadcast_in_dim3A_6 {strides = array<i32>} : memref<1000x128xf32, #tpu.memory_space<vmem>>, vector<16xf32>,
      %mul3A_63 = arith.constant 8 : i32
      %mul3A_64 = arith.muli %scan3A_21, %mul3A_63 : i32
      %add3A_65 = arith.constant 0 : i32
      %add3A_66 = arith.addi %mul3A_64, %add3A_65 : i32
      %swap3A_67 = arith.index_cast %add3A_66 : i32 to index
      %swap3A_68 = arith.constant 96 : index
      %swap3A_69 = tpu.vector_load %arg7[%swap3A_67, %swap3A_68] {strides = array<i32>} : memref<1000x128xf32, #tpu.memory_space<vmem>>, vector<16xf32>,
      tpu.vector_store %arg7[%swap3A_67, %swap3A_68], %broadcast_in_dim3A_6 {strides = array<i32>} : memref<1000x128xf32, #tpu.memory_space<vmem>>, vector<16xf32>,
      %mul3A_70 = arith.constant 8 : i32
      %mul3A_71 = arith.muli %scan3A_21, %mul3A_70 : i32
      %add3A_72 = arith.constant 0 : i32
      %add3A_73 = arith.addi %mul3A_71, %add3A_72 : i32
      %swap3A_74 = arith.index_cast %add3A_73 : i32 to index
      %swap3A_75 = arith.constant 112 : index
      %swap3A_76 = tpu.vector_load %arg7[%swap3A_74, %swap3A_75] {strides = array<i32>} : memref<1000x128xf32, #tpu.memory_space<vmem>>, vector<16xf32>,
      tpu.vector_store %arg7[%swap3A_74, %swap3A_75], %broadcast_in_dim3A_6 {strides = array<i32>} : memref<1000x128xf32, #tpu.memory_space<vmem>>, vector<16xf32>,
      %mul3A_77 = arith.constant 8 : i32
      %mul3A_78 = arith.muli %scan3A_21, %mul3A_77 : i32
      %add3A_79 = arith.constant 1 : i32
      %add3A_80 = arith.addi %mul3A_78, %add3A_79 : i32
      %swap3A_81 = arith.index_cast %add3A_80 : i32 to index
      %swap3A_82 = arith.constant 0 : index
      %swap3A_83 = tpu.vector_load %arg7[%swap3A_81, %swap3A_82] {strides = array<i32>} : memref<1000x128xf32, #tpu.memory_space<vmem>>, vector<16xf32>,
      tpu.vector_store %arg7[%swap3A_81, %swap3A_82], %broadcast_in_dim3A_6 {strides = array<i32>} : memref<1000x128xf32, #tpu.memory_space<vmem>>, vector<16xf32>,
      %mul3A_84 = arith.constant 8 : i32
      %mul3A_85 = arith.muli %scan3A_21, %mul3A_84 : i32
      %add3A_86 = arith.constant 1 : i32
      %add3A_87 = arith.addi %mul3A_85, %add3A_86 : i32
      %swap3A_88 = arith.index_cast %add3A_87 : i32 to index
      %swap3A_89 = arith.constant 16 : index
      %swap3A_90 = tpu.vector_load %arg7[%swap3A_88, %swap3A_89] {strides = array<i32>} : memref<1000x128xf32, #tpu.memory_space<vmem>>, vector<16xf32>,
      tpu.vector_store %arg7[%swap3A_88, %swap3A_89], %broadcast_in_dim3A_6 {strides = array<i32>} : memref<1000x128xf32, #tpu.memory_space<vmem>>, vector<16xf32>,
      %mul3A_91 = arith.constant 8 : i32
      %mul3A_92 = arith.muli %scan3A_21, %mul3A_91 : i32
      %add3A_93 = arith.constant 1 : i32
      %add3A_94 = arith.addi %mul3A_92, %add3A_93 : i32
      %swap3A_95 = arith.index_cast %add3A_94 : i32 to index
      %swap3A_96 = arith.constant 32 : index
      %swap3A_97 = tpu.vector_load %arg7[%swap3A_95, %swap3A_96] {strides = array<i32>} : memref<1000x128xf32, #tpu.memory_space<vmem>>, vector<16xf32>,
      tpu.vector_store %arg7[%swap3A_95, %swap3A_96], %broadcast_in_dim3A_6 {strides = array<i32>} : memref<1000x128xf32, #tpu.memory_space<vmem>>, vector<16xf32>,
      %mul3A_98 = arith.constant 8 : i32
      %mul3A_99 = arith.muli %scan3A_21, %mul3A_98 : i32
      %add3A_100 = arith.constant 1 : i32
      %add3A_101 = arith.addi %mul3A_99, %add3A_100 : i32
      %swap3A_102 = arith.index_cast %add3A_101 : i32 to index
      %swap3A_103 = arith.constant 48 : index
      %swap3A_104 = tpu.vector_load %arg7[%swap3A_102, %swap3A_103] {strides = array<i32>} : memref<1000x128xf32, #tpu.memory_space<vmem>>, vector<16xf32>,
      tpu.vector_store %arg7[%swap3A_102, %swap3A_103], %broadcast_in_dim3A_6 {strides = array<i32>} : memref<1000x128xf32, #tpu.memory_space<vmem>>, vector<16xf32>,
      %mul3A_105 = arith.constant 8 : i32
      %mul3A_106 = arith.muli %scan3A_21, %mul3A_105 : i32
      %add3A_107 = arith.constant 1 : i32
      %add3A_108 = arith.addi %mul3A_106, %add3A_107 : i32
      %swap3A_109 = arith.index_cast %add3A_108 : i32 to index
      %swap3A_110 = arith.constant 64 : index
      %swap3A_111 = tpu.vector_load %arg7[%swap3A_109, %swap3A_110] {strides = array<i32>} : memref<1000x128xf32, #tpu.memory_space<vmem>>, vector<16xf32>,
      tpu.vector_store %arg7[%swap3A_109, %swap3A_110], %broadcast_in_dim3A_6 {strides = array<i32>} : memref<1000x128xf32, #tpu.memory_space<vmem>>, vector<16xf32>,
      %mul3A_112 = arith.constant 8 : i32
      %mul3A_113 = arith.muli %scan3A_21, %mul3A_112 : i32
      %add3A_114 = arith.constant 1 : i32
      %add3A_115 = arith.addi %mul3A_113, %add3A_114 : i32
      %swap3A_116 = arith.index_cast %add3A_115 : i32 to index
      %swap3A_117 = arith.constant 80 : index
      %swap3A_118 = tpu.vector_load %arg7[%swap3A_116, %swap3A_117] {strides = array<i32>} : memref<1000x128xf32, #tpu.memory_space<vmem>>, vector<16xf32>,
      tpu.vector_store %arg7[%swap3A_116, %swap3A_117], %broadcast_in_dim3A_6 {strides = array<i32>} : memref<1000x128xf32, #tpu.memory_space<vmem>>, vector<16xf32>,
      %mul3A_119 = arith.constant 8 : i32
      %mul3A_120 = arith.muli %scan3A_21, %mul3A_119 : i32
      %add3A_121 = arith.constant 1 : i32
      %add3A_122 = arith.addi %mul3A_120, %add3A_121 : i32
      %swap3A_123 = arith.index_cast %add3A_122 : i32 to index
      %swap3A_124 = arith.constant 96 : index
      %swap3A_125 = tpu.vector_load %arg7[%swap3A_123, %swap3A_124] {strides = array<i32>} : memref<1000x128xf32, #tpu.memory_space<vmem>>, vector<16xf32>,
      tpu.vector_store %arg7[%swap3A_123, %swap3A_124], %broadcast_in_dim3A_6 {strides = array<i32>} : memref<1000x128xf32, #tpu.memory_space<vmem>>, vector<16xf32>,
      %mul3A_126 = arith.constant 8 : i32
      %mul3A_127 = arith.muli %scan3A_21, %mul3A_126 : i32
      %add3A_128 = arith.constant 1 : i32
      %add3A_129 = arith.addi %mul3A_127, %add3A_128 : i32
      %swap3A_130 = arith.index_cast %add3A_129 : i32 to index
      %swap3A_131 = arith.constant 112 : index
      %swap3A_132 = tpu.vector_load %arg7[%swap3A_130, %swap3A_131] {strides = array<i32>} : memref<1000x128xf32, #tpu.memory_space<vmem>>, vector<16xf32>,
      tpu.vector_store %arg7[%swap3A_130, %swap3A_131], %broadcast_in_dim3A_6 {strides = array<i32>} : memref<1000x128xf32, #tpu.memory_space<vmem>>, vector<16xf32>,
      %mul3A_133 = arith.constant 8 : i32
      %mul3A_134 = arith.muli %scan3A_21, %mul3A_133 : i32
      %add3A_135 = arith.constant 2 : i32
      %add3A_136 = arith.addi %mul3A_134, %add3A_135 : i32
      %swap3A_137 = arith.index_cast %add3A_136 : i32 to index
      %swap3A_138 = arith.constant 0 : index
      %swap3A_139 = tpu.vector_load %arg7[%swap3A_137, %swap3A_138] {strides = array<i32>} : memref<1000x128xf32, #tpu.memory_space<vmem>>, vector<16xf32>,
      tpu.vector_store %arg7[%swap3A_137, %swap3A_138], %broadcast_in_dim3A_6 {strides = array<i32>} : memref<1000x128xf32, #tpu.memory_space<vmem>>, vector<16xf32>,
      %mul3A_140 = arith.constant 8 : i32
      %mul3A_141 = arith.muli %scan3A_21, %mul3A_140 : i32
      %add3A_142 = arith.constant 2 : i32
      %add3A_143 = arith.addi %mul3A_141, %add3A_142 : i32
      %swap3A_144 = arith.index_cast %add3A_143 : i32 to index
      %swap3A_145 = arith.constant 16 : index
      %swap3A_146 = tpu.vector_load %arg7[%swap3A_144, %swap3A_145] {strides = array<i32>} : memref<1000x128xf32, #tpu.memory_space<vmem>>, vector<16xf32>,
      tpu.vector_store %arg7[%swap3A_144, %swap3A_145], %broadcast_in_dim3A_6 {strides = array<i32>} : memref<1000x128xf32, #tpu.memory_space<vmem>>, vector<16xf32>,
      %mul3A_147 = arith.constant 8 : i32
      %mul3A_148 = arith.muli %scan3A_21, %mul3A_147 : i32
      %add3A_149 = arith.constant 2 : i32
      %add3A_150 = arith.addi %mul3A_148, %add3A_149 : i32
      %swap3A_151 = arith.index_cast %add3A_150 : i32 to index
      %swap3A_152 = arith.constant 32 : index
      %swap3A_153 = tpu.vector_load %arg7[%swap3A_151, %swap3A_152] {strides = array<i32>} : memref<1000x128xf32, #tpu.memory_space<vmem>>, vector<16xf32>,
      tpu.vector_store %arg7[%swap3A_151, %swap3A_152], %broadcast_in_dim3A_6 {strides = array<i32>} : memref<1000x128xf32, #tpu.memory_space<vmem>>, vector<16xf32>,
      %mul3A_154 = arith.constant 8 : i32
      %mul3A_155 = arith.muli %scan3A_21, %mul3A_154 : i32
      %add3A_156 = arith.constant 2 : i32
      %add3A_157 = arith.addi %mul3A_155, %add3A_156 : i32
      %swap3A_158 = arith.index_cast %add3A_157 : i32 to index
      %swap3A_159 = arith.constant 48 : index
      %swap3A_160 = tpu.vector_load %arg7[%swap3A_158, %swap3A_159] {strides = array<i32>} : memref<1000x128xf32, #tpu.memory_space<vmem>>, vector<16xf32>,
      tpu.vector_store %arg7[%swap3A_158, %swap3A_159], %broadcast_in_dim3A_6 {strides = array<i32>} : memref<1000x128xf32, #tpu.memory_space<vmem>>, vector<16xf32>,
      %mul3A_161 = arith.constant 8 : i32
      %mul3A_162 = arith.muli %scan3A_21, %mul3A_161 : i32
      %add3A_163 = arith.constant 2 : i32
      %add3A_164 = arith.addi %mul3A_162, %add3A_163 : i32
      %swap3A_165 = arith.index_cast %add3A_164 : i32 to index
      %swap3A_166 = arith.constant 64 : index
      %swap3A_167 = tpu.vector_load %arg7[%swap3A_165, %swap3A_166] {strides = array<i32>} : memref<1000x128xf32, #tpu.memory_space<vmem>>, vector<16xf32>,
      tpu.vector_store %arg7[%swap3A_165, %swap3A_166], %broadcast_in_dim3A_6 {strides = array<i32>} : memref<1000x128xf32, #tpu.memory_space<vmem>>, vector<16xf32>,
      %mul3A_168 = arith.constant 8 : i32
      %mul3A_169 = arith.muli %scan3A_21, %mul3A_168 : i32
      %add3A_170 = arith.constant 2 : i32
      %add3A_171 = arith.addi %mul3A_169, %add3A_170 : i32
      %swap3A_172 = arith.index_cast %add3A_171 : i32 to index
      %swap3A_173 = arith.constant 80 : index
      %swap3A_174 = tpu.vector_load %arg7[%swap3A_172, %swap3A_173] {strides = array<i32>} : memref<1000x128xf32, #tpu.memory_space<vmem>>, vector<16xf32>,
      tpu.vector_store %arg7[%swap3A_172, %swap3A_173], %broadcast_in_dim3A_6 {strides = array<i32>} : memref<1000x128xf32, #tpu.memory_space<vmem>>, vector<16xf32>,
      %mul3A_175 = arith.constant 8 : i32
      %mul3A_176 = arith.muli %scan3A_21, %mul3A_175 : i32
      %add3A_177 = arith.constant 2 : i32
      %add3A_178 = arith.addi %mul3A_176, %add3A_177 : i32
      %swap3A_179 = arith.index_cast %add3A_178 : i32 to index
      %swap3A_180 = arith.constant 96 : index
      %swap3A_181 = tpu.vector_load %arg7[%swap3A_179, %swap3A_180] {strides = array<i32>} : memref<1000x128xf32, #tpu.memory_space<vmem>>, vector<16xf32>,
      tpu.vector_store %arg7[%swap3A_179, %swap3A_180], %broadcast_in_dim3A_6 {strides = array<i32>} : memref<1000x128xf32, #tpu.memory_space<vmem>>, vector<16xf32>,
      %mul3A_182 = arith.constant 8 : i32
      %mul3A_183 = arith.muli %scan3A_21, %mul3A_182 : i32
      %add3A_184 = arith.constant 2 : i32
      %add3A_185 = arith.addi %mul3A_183, %add3A_184 : i32
      %swap3A_186 = arith.index_cast %add3A_185 : i32 to index
      %swap3A_187 = arith.constant 112 : index
      %swap3A_188 = tpu.vector_load %arg7[%swap3A_186, %swap3A_187] {strides = array<i32>} : memref<1000x128xf32, #tpu.memory_space<vmem>>, vector<16xf32>,
      tpu.vector_store %arg7[%swap3A_186, %swap3A_187], %broadcast_in_dim3A_6 {strides = array<i32>} : memref<1000x128xf32, #tpu.memory_space<vmem>>, vector<16xf32>,
      %mul3A_189 = arith.constant 8 : i32
      %mul3A_190 = arith.muli %scan3A_21, %mul3A_189 : i32
      %add3A_191 = arith.constant 3 : i32
      %add3A_192 = arith.addi %mul3A_190, %add3A_191 : i32
      %swap3A_193 = arith.index_cast %add3A_192 : i32 to index
      %swap3A_194 = arith.constant 0 : index
      %swap3A_195 = tpu.vector_load %arg7[%swap3A_193, %swap3A_194] {strides = array<i32>} : memref<1000x128xf32, #tpu.memory_space<vmem>>, vector<16xf32>,
      tpu.vector_store %arg7[%swap3A_193, %swap3A_194], %broadcast_in_dim3A_6 {strides = array<i32>} : memref<1000x128xf32, #tpu.memory_space<vmem>>, vector<16xf32>,
      %mul3A_196 = arith.constant 8 : i32
      %mul3A_197 = arith.muli %scan3A_21, %mul3A_196 : i32
      %add3A_198 = arith.constant 3 : i32
      %add3A_199 = arith.addi %mul3A_197, %add3A_198 : i32
      %swap3A_200 = arith.index_cast %add3A_199 : i32 to index
      %swap3A_201 = arith.constant 16 : index
      %swap3A_202 = tpu.vector_load %arg7[%swap3A_200, %swap3A_201] {strides = array<i32>} : memref<1000x128xf32, #tpu.memory_space<vmem>>, vector<16xf32>,
      tpu.vector_store %arg7[%swap3A_200, %swap3A_201], %broadcast_in_dim3A_6 {strides = array<i32>} : memref<1000x128xf32, #tpu.memory_space<vmem>>, vector<16xf32>,
      %mul3A_203 = arith.constant 8 : i32
      %mul3A_204 = arith.muli %scan3A_21, %mul3A_203 : i32
      %add3A_205 = arith.constant 3 : i32
      %add3A_206 = arith.addi %mul3A_204, %add3A_205 : i32
      %swap3A_207 = arith.index_cast %add3A_206 : i32 to index
      %swap3A_208 = arith.constant 32 : index
      %swap3A_209 = tpu.vector_load %arg7[%swap3A_207, %swap3A_208] {strides = array<i32>} : memref<1000x128xf32, #tpu.memory_space<vmem>>, vector<16xf32>,
      tpu.vector_store %arg7[%swap3A_207, %swap3A_208], %broadcast_in_dim3A_6 {strides = array<i32>} : memref<1000x128xf32, #tpu.memory_space<vmem>>, vector<16xf32>,
      %mul3A_210 = arith.constant 8 : i32
      %mul3A_211 = arith.muli %scan3A_21, %mul3A_210 : i32
      %add3A_212 = arith.constant 3 : i32
      %add3A_213 = arith.addi %mul3A_211, %add3A_212 : i32
      %swap3A_214 = arith.index_cast %add3A_213 : i32 to index
      %swap3A_215 = arith.constant 48 : index
      %swap3A_216 = tpu.vector_load %arg7[%swap3A_214, %swap3A_215] {strides = array<i32>} : memref<1000x128xf32, #tpu.memory_space<vmem>>, vector<16xf32>,
      tpu.vector_store %arg7[%swap3A_214, %swap3A_215], %broadcast_in_dim3A_6 {strides = array<i32>} : memref<1000x128xf32, #tpu.memory_space<vmem>>, vector<16xf32>,
      %mul3A_217 = arith.constant 8 : i32
      %mul3A_218 = arith.muli %scan3A_21, %mul3A_217 : i32
      %add3A_219 = arith.constant 3 : i32
      %add3A_220 = arith.addi %mul3A_218, %add3A_219 : i32
      %swap3A_221 = arith.index_cast %add3A_220 : i32 to index
      %swap3A_222 = arith.constant 64 : index
      %swap3A_223 = tpu.vector_load %arg7[%swap3A_221, %swap3A_222] {strides = array<i32>} : memref<1000x128xf32, #tpu.memory_space<vmem>>, vector<16xf32>,
      tpu.vector_store %arg7[%swap3A_221, %swap3A_222], %broadcast_in_dim3A_6 {strides = array<i32>} : memref<1000x128xf32, #tpu.memory_space<vmem>>, vector<16xf32>,
      %mul3A_224 = arith.constant 8 : i32
      %mul3A_225 = arith.muli %scan3A_21, %mul3A_224 : i32
      %add3A_226 = arith.constant 3 : i32
      %add3A_227 = arith.addi %mul3A_225, %add3A_226 : i32
      %swap3A_228 = arith.index_cast %add3A_227 : i32 to index
      %swap3A_229 = arith.constant 80 : index
      %swap3A_230 = tpu.vector_load %arg7[%swap3A_228, %swap3A_229] {strides = array<i32>} : memref<1000x128xf32, #tpu.memory_space<vmem>>, vector<16xf32>,
      tpu.vector_store %arg7[%swap3A_228, %swap3A_229], %broadcast_in_dim3A_6 {strides = array<i32>} : memref<1000x128xf32, #tpu.memory_space<vmem>>, vector<16xf32>,
      %mul3A_231 = arith.constant 8 : i32
      %mul3A_232 = arith.muli %scan3A_21, %mul3A_231 : i32
      %add3A_233 = arith.constant 3 : i32
      %add3A_234 = arith.addi %mul3A_232, %add3A_233 : i32
      %swap3A_235 = arith.index_cast %add3A_234 : i32 to index
      %swap3A_236 = arith.constant 96 : index
      %swap3A_237 = tpu.vector_load %arg7[%swap3A_235, %swap3A_236] {strides = array<i32>} : memref<1000x128xf32, #tpu.memory_space<vmem>>, vector<16xf32>,
      tpu.vector_store %arg7[%swap3A_235, %swap3A_236], %broadcast_in_dim3A_6 {strides = array<i32>} : memref<1000x128xf32, #tpu.memory_space<vmem>>, vector<16xf32>,
      %mul3A_238 = arith.constant 8 : i32
      %mul3A_239 = arith.muli %scan3A_21, %mul3A_238 : i32
      %add3A_240 = arith.constant 3 : i32
      %add3A_241 = arith.addi %mul3A_239, %add3A_240 : i32
      %swap3A_242 = arith.index_cast %add3A_241 : i32 to index
      %swap3A_243 = arith.constant 112 : index
      %swap3A_244 = tpu.vector_load %arg7[%swap3A_242, %swap3A_243] {strides = array<i32>} : memref<1000x128xf32, #tpu.memory_space<vmem>>, vector<16xf32>,
      tpu.vector_store %arg7[%swap3A_242, %swap3A_243], %broadcast_in_dim3A_6 {strides = array<i32>} : memref<1000x128xf32, #tpu.memory_space<vmem>>, vector<16xf32>,
      %mul3A_245 = arith.constant 8 : i32
      %mul3A_246 = arith.muli %scan3A_21, %mul3A_245 : i32
      %add3A_247 = arith.constant 4 : i32
      %add3A_248 = arith.addi %mul3A_246, %add3A_247 : i32
      %swap3A_249 = arith.index_cast %add3A_248 : i32 to index
      %swap3A_250 = arith.constant 0 : index
      %swap3A_251 = tpu.vector_load %arg7[%swap3A_249, %swap3A_250] {strides = array<i32>} : memref<1000x128xf32, #tpu.memory_space<vmem>>, vector<16xf32>,
      tpu.vector_store %arg7[%swap3A_249, %swap3A_250], %broadcast_in_dim3A_6 {strides = array<i32>} : memref<1000x128xf32, #tpu.memory_space<vmem>>, vector<16xf32>,
      %mul3A_252 = arith.constant 8 : i32
      %mul3A_253 = arith.muli %scan3A_21, %mul3A_252 : i32
      %add3A_254 = arith.constant 4 : i32
      %add3A_255 = arith.addi %mul3A_253, %add3A_254 : i32
      %swap3A_256 = arith.index_cast %add3A_255 : i32 to index
      %swap3A_257 = arith.constant 16 : index
      %swap3A_258 = tpu.vector_load %arg7[%swap3A_256, %swap3A_257] {strides = array<i32>} : memref<1000x128xf32, #tpu.memory_space<vmem>>, vector<16xf32>,
      tpu.vector_store %arg7[%swap3A_256, %swap3A_257], %broadcast_in_dim3A_6 {strides = array<i32>} : memref<1000x128xf32, #tpu.memory_space<vmem>>, vector<16xf32>,
      %mul3A_259 = arith.constant 8 : i32
      %mul3A_260 = arith.muli %scan3A_21, %mul3A_259 : i32
      %add3A_261 = arith.constant 4 : i32
      %add3A_262 = arith.addi %mul3A_260, %add3A_261 : i32
      %swap3A_263 = arith.index_cast %add3A_262 : i32 to index
      %swap3A_264 = arith.constant 32 : index
      %swap3A_265 = tpu.vector_load %arg7[%swap3A_263, %swap3A_264] {strides = array<i32>} : memref<1000x128xf32, #tpu.memory_space<vmem>>, vector<16xf32>,
      tpu.vector_store %arg7[%swap3A_263, %swap3A_264], %broadcast_in_dim3A_6 {strides = array<i32>} : memref<1000x128xf32, #tpu.memory_space<vmem>>, vector<16xf32>,
      %mul3A_266 = arith.constant 8 : i32
      %mul3A_267 = arith.muli %scan3A_21, %mul3A_266 : i32
      %add3A_268 = arith.constant 4 : i32
      %add3A_269 = arith.addi %mul3A_267, %add3A_268 : i32
      %swap3A_270 = arith.index_cast %add3A_269 : i32 to index
      %swap3A_271 = arith.constant 48 : index
      %swap3A_272 = tpu.vector_load %arg7[%swap3A_270, %swap3A_271] {strides = array<i32>} : memref<1000x128xf32, #tpu.memory_space<vmem>>, vector<16xf32>,
      tpu.vector_store %arg7[%swap3A_270, %swap3A_271], %broadcast_in_dim3A_6 {strides = array<i32>} : memref<1000x128xf32, #tpu.memory_space<vmem>>, vector<16xf32>,
      %mul3A_273 = arith.constant 8 : i32
      %mul3A_274 = arith.muli %scan3A_21, %mul3A_273 : i32
      %add3A_275 = arith.constant 4 : i32
      %add3A_276 = arith.addi %mul3A_274, %add3A_275 : i32
      %swap3A_277 = arith.index_cast %add3A_276 : i32 to index
      %swap3A_278 = arith.constant 64 : index
      %swap3A_279 = tpu.vector_load %arg7[%swap3A_277, %swap3A_278] {strides = array<i32>} : memref<1000x128xf32, #tpu.memory_space<vmem>>, vector<16xf32>,
      tpu.vector_store %arg7[%swap3A_277, %swap3A_278], %broadcast_in_dim3A_6 {strides = array<i32>} : memref<1000x128xf32, #tpu.memory_space<vmem>>, vector<16xf32>,
      %mul3A_280 = arith.constant 8 : i32
      %mul3A_281 = arith.muli %scan3A_21, %mul3A_280 : i32
      %add3A_282 = arith.constant 4 : i32
      %add3A_283 = arith.addi %mul3A_281, %add3A_282 : i32
      %swap3A_284 = arith.index_cast %add3A_283 : i32 to index
      %swap3A_285 = arith.constant 80 : index
      %swap3A_286 = tpu.vector_load %arg7[%swap3A_284, %swap3A_285] {strides = array<i32>} : memref<1000x128xf32, #tpu.memory_space<vmem>>, vector<16xf32>,
      tpu.vector_store %arg7[%swap3A_284, %swap3A_285], %broadcast_in_dim3A_6 {strides = array<i32>} : memref<1000x128xf32, #tpu.memory_space<vmem>>, vector<16xf32>,
      %mul3A_287 = arith.constant 8 : i32
      %mul3A_288 = arith.muli %scan3A_21, %mul3A_287 : i32
      %add3A_289 = arith.constant 4 : i32
      %add3A_290 = arith.addi %mul3A_288, %add3A_289 : i32
      %swap3A_291 = arith.index_cast %add3A_290 : i32 to index
      %swap3A_292 = arith.constant 96 : index
      %swap3A_293 = tpu.vector_load %arg7[%swap3A_291, %swap3A_292] {strides = array<i32>} : memref<1000x128xf32, #tpu.memory_space<vmem>>, vector<16xf32>,
      tpu.vector_store %arg7[%swap3A_291, %swap3A_292], %broadcast_in_dim3A_6 {strides = array<i32>} : memref<1000x128xf32, #tpu.memory_space<vmem>>, vector<16xf32>,
      %mul3A_294 = arith.constant 8 : i32
      %mul3A_295 = arith.muli %scan3A_21, %mul3A_294 : i32
      %add3A_296 = arith.constant 4 : i32
      %add3A_297 = arith.addi %mul3A_295, %add3A_296 : i32
      %swap3A_298 = arith.index_cast %add3A_297 : i32 to index
      %swap3A_299 = arith.constant 112 : index
      %swap3A_300 = tpu.vector_load %arg7[%swap3A_298, %swap3A_299] {strides = array<i32>} : memref<1000x128xf32, #tpu.memory_space<vmem>>, vector<16xf32>,
      tpu.vector_store %arg7[%swap3A_298, %swap3A_299], %broadcast_in_dim3A_6 {strides = array<i32>} : memref<1000x128xf32, #tpu.memory_space<vmem>>, vector<16xf32>,
      %mul3A_301 = arith.constant 8 : i32
      %mul3A_302 = arith.muli %scan3A_21, %mul3A_301 : i32
      %add3A_303 = arith.constant 5 : i32
      %add3A_304 = arith.addi %mul3A_302, %add3A_303 : i32
      %swap3A_305 = arith.index_cast %add3A_304 : i32 to index
      %swap3A_306 = arith.constant 0 : index
      %swap3A_307 = tpu.vector_load %arg7[%swap3A_305, %swap3A_306] {strides = array<i32>} : memref<1000x128xf32, #tpu.memory_space<vmem>>, vector<16xf32>,
      tpu.vector_store %arg7[%swap3A_305, %swap3A_306], %broadcast_in_dim3A_6 {strides = array<i32>} : memref<1000x128xf32, #tpu.memory_space<vmem>>, vector<16xf32>,
      %mul3A_308 = arith.constant 8 : i32
      %mul3A_309 = arith.muli %scan3A_21, %mul3A_308 : i32
      %add3A_310 = arith.constant 5 : i32
      %add3A_311 = arith.addi %mul3A_309, %add3A_310 : i32
      %swap3A_312 = arith.index_cast %add3A_311 : i32 to index
      %swap3A_313 = arith.constant 16 : index
      %swap3A_314 = tpu.vector_load %arg7[%swap3A_312, %swap3A_313] {strides = array<i32>} : memref<1000x128xf32, #tpu.memory_space<vmem>>, vector<16xf32>,
      tpu.vector_store %arg7[%swap3A_312, %swap3A_313], %broadcast_in_dim3A_6 {strides = array<i32>} : memref<1000x128xf32, #tpu.memory_space<vmem>>, vector<16xf32>,
      %mul3A_315 = arith.constant 8 : i32
      %mul3A_316 = arith.muli %scan3A_21, %mul3A_315 : i32
      %add3A_317 = arith.constant 5 : i32
      %add3A_318 = arith.addi %mul3A_316, %add3A_317 : i32
      %swap3A_319 = arith.index_cast %add3A_318 : i32 to index
      %swap3A_320 = arith.constant 32 : index
      %swap3A_321 = tpu.vector_load %arg7[%swap3A_319, %swap3A_320] {strides = array<i32>} : memref<1000x128xf32, #tpu.memory_space<vmem>>, vector<16xf32>,
      tpu.vector_store %arg7[%swap3A_319, %swap3A_320], %broadcast_in_dim3A_6 {strides = array<i32>} : memref<1000x128xf32, #tpu.memory_space<vmem>>, vector<16xf32>,
      %mul3A_322 = arith.constant 8 : i32
      %mul3A_323 = arith.muli %scan3A_21, %mul3A_322 : i32
      %add3A_324 = arith.constant 5 : i32
      %add3A_325 = arith.addi %mul3A_323, %add3A_324 : i32
      %swap3A_326 = arith.index_cast %add3A_325 : i32 to index
      %swap3A_327 = arith.constant 48 : index
      %swap3A_328 = tpu.vector_load %arg7[%swap3A_326, %swap3A_327] {strides = array<i32>} : memref<1000x128xf32, #tpu.memory_space<vmem>>, vector<16xf32>,
      tpu.vector_store %arg7[%swap3A_326, %swap3A_327], %broadcast_in_dim3A_6 {strides = array<i32>} : memref<1000x128xf32, #tpu.memory_space<vmem>>, vector<16xf32>,
      %mul3A_329 = arith.constant 8 : i32
      %mul3A_330 = arith.muli %scan3A_21, %mul3A_329 : i32
      %add3A_331 = arith.constant 5 : i32
      %add3A_332 = arith.addi %mul3A_330, %add3A_331 : i32
      %swap3A_333 = arith.index_cast %add3A_332 : i32 to index
      %swap3A_334 = arith.constant 64 : index
      %swap3A_335 = tpu.vector_load %arg7[%swap3A_333, %swap3A_334] {strides = array<i32>} : memref<1000x128xf32, #tpu.memory_space<vmem>>, vector<16xf32>,
      tpu.vector_store %arg7[%swap3A_333, %swap3A_334], %broadcast_in_dim3A_6 {strides = array<i32>} : memref<1000x128xf32, #tpu.memory_space<vmem>>, vector<16xf32>,
      %mul3A_336 = arith.constant 8 : i32
      %mul3A_337 = arith.muli %scan3A_21, %mul3A_336 : i32
      %add3A_338 = arith.constant 5 : i32
      %add3A_339 = arith.addi %mul3A_337, %add3A_338 : i32
      %swap3A_340 = arith.index_cast %add3A_339 : i32 to index
      %swap3A_341 = arith.constant 80 : index
      %swap3A_342 = tpu.vector_load %arg7[%swap3A_340, %swap3A_341] {strides = array<i32>} : memref<1000x128xf32, #tpu.memory_space<vmem>>, vector<16xf32>,
      tpu.vector_store %arg7[%swap3A_340, %swap3A_341], %broadcast_in_dim3A_6 {strides = array<i32>} : memref<1000x128xf32, #tpu.memory_space<vmem>>, vector<16xf32>,
      %mul3A_343 = arith.constant 8 : i32
      %mul3A_344 = arith.muli %scan3A_21, %mul3A_343 : i32
      %add3A_345 = arith.constant 5 : i32
      %add3A_346 = arith.addi %mul3A_344, %add3A_345 : i32
      %swap3A_347 = arith.index_cast %add3A_346 : i32 to index
      %swap3A_348 = arith.constant 96 : index
      %swap3A_349 = tpu.vector_load %arg7[%swap3A_347, %swap3A_348] {strides = array<i32>} : memref<1000x128xf32, #tpu.memory_space<vmem>>, vector<16xf32>,
      tpu.vector_store %arg7[%swap3A_347, %swap3A_348], %broadcast_in_dim3A_6 {strides = array<i32>} : memref<1000x128xf32, #tpu.memory_space<vmem>>, vector<16xf32>,
      %mul3A_350 = arith.constant 8 : i32
      %mul3A_351 = arith.muli %scan3A_21, %mul3A_350 : i32
      %add3A_352 = arith.constant 5 : i32
      %add3A_353 = arith.addi %mul3A_351, %add3A_352 : i32
      %swap3A_354 = arith.index_cast %add3A_353 : i32 to index
      %swap3A_355 = arith.constant 112 : index
      %swap3A_356 = tpu.vector_load %arg7[%swap3A_354, %swap3A_355] {strides = array<i32>} : memref<1000x128xf32, #tpu.memory_space<vmem>>, vector<16xf32>,
      tpu.vector_store %arg7[%swap3A_354, %swap3A_355], %broadcast_in_dim3A_6 {strides = array<i32>} : memref<1000x128xf32, #tpu.memory_space<vmem>>, vector<16xf32>,
      %mul3A_357 = arith.constant 8 : i32
      %mul3A_358 = arith.muli %scan3A_21, %mul3A_357 : i32
      %add3A_359 = arith.constant 6 : i32
      %add3A_360 = arith.addi %mul3A_358, %add3A_359 : i32
      %swap3A_361 = arith.index_cast %add3A_360 : i32 to index
      %swap3A_362 = arith.constant 0 : index
      %swap3A_363 = tpu.vector_load %arg7[%swap3A_361, %swap3A_362] {strides = array<i32>} : memref<1000x128xf32, #tpu.memory_space<vmem>>, vector<16xf32>,
      tpu.vector_store %arg7[%swap3A_361, %swap3A_362], %broadcast_in_dim3A_6 {strides = array<i32>} : memref<1000x128xf32, #tpu.memory_space<vmem>>, vector<16xf32>,
      %mul3A_364 = arith.constant 8 : i32
      %mul3A_365 = arith.muli %scan3A_21, %mul3A_364 : i32
      %add3A_366 = arith.constant 6 : i32
      %add3A_367 = arith.addi %mul3A_365, %add3A_366 : i32
      %swap3A_368 = arith.index_cast %add3A_367 : i32 to index
      %swap3A_369 = arith.constant 16 : index
      %swap3A_370 = tpu.vector_load %arg7[%swap3A_368, %swap3A_369] {strides = array<i32>} : memref<1000x128xf32, #tpu.memory_space<vmem>>, vector<16xf32>,
      tpu.vector_store %arg7[%swap3A_368, %swap3A_369], %broadcast_in_dim3A_6 {strides = array<i32>} : memref<1000x128xf32, #tpu.memory_space<vmem>>, vector<16xf32>,
      %mul3A_371 = arith.constant 8 : i32
      %mul3A_372 = arith.muli %scan3A_21, %mul3A_371 : i32
      %add3A_373 = arith.constant 6 : i32
      %add3A_374 = arith.addi %mul3A_372, %add3A_373 : i32
      %swap3A_375 = arith.index_cast %add3A_374 : i32 to index
      %swap3A_376 = arith.constant 32 : index
      %swap3A_377 = tpu.vector_load %arg7[%swap3A_375, %swap3A_376] {strides = array<i32>} : memref<1000x128xf32, #tpu.memory_space<vmem>>, vector<16xf32>,
      tpu.vector_store %arg7[%swap3A_375, %swap3A_376], %broadcast_in_dim3A_6 {strides = array<i32>} : memref<1000x128xf32, #tpu.memory_space<vmem>>, vector<16xf32>,
      %mul3A_378 = arith.constant 8 : i32
      %mul3A_379 = arith.muli %scan3A_21, %mul3A_378 : i32
      %add3A_380 = arith.constant 6 : i32
      %add3A_381 = arith.addi %mul3A_379, %add3A_380 : i32
      %swap3A_382 = arith.index_cast %add3A_381 : i32 to index
      %swap3A_383 = arith.constant 48 : index
      %swap3A_384 = tpu.vector_load %arg7[%swap3A_382, %swap3A_383] {strides = array<i32>} : memref<1000x128xf32, #tpu.memory_space<vmem>>, vector<16xf32>,
      tpu.vector_store %arg7[%swap3A_382, %swap3A_383], %broadcast_in_dim3A_6 {strides = array<i32>} : memref<1000x128xf32, #tpu.memory_space<vmem>>, vector<16xf32>,
      %mul3A_385 = arith.constant 8 : i32
      %mul3A_386 = arith.muli %scan3A_21, %mul3A_385 : i32
      %add3A_387 = arith.constant 6 : i32
      %add3A_388 = arith.addi %mul3A_386, %add3A_387 : i32
      %swap3A_389 = arith.index_cast %add3A_388 : i32 to index
      %swap3A_390 = arith.constant 64 : index
      %swap3A_391 = tpu.vector_load %arg7[%swap3A_389, %swap3A_390] {strides = array<i32>} : memref<1000x128xf32, #tpu.memory_space<vmem>>, vector<16xf32>,
      tpu.vector_store %arg7[%swap3A_389, %swap3A_390], %broadcast_in_dim3A_6 {strides = array<i32>} : memref<1000x128xf32, #tpu.memory_space<vmem>>, vector<16xf32>,
      %mul3A_392 = arith.constant 8 : i32
      %mul3A_393 = arith.muli %scan3A_21, %mul3A_392 : i32
      %add3A_394 = arith.constant 6 : i32
      %add3A_395 = arith.addi %mul3A_393, %add3A_394 : i32
      %swap3A_396 = arith.index_cast %add3A_395 : i32 to index
      %swap3A_397 = arith.constant 80 : index
      %swap3A_398 = tpu.vector_load %arg7[%swap3A_396, %swap3A_397] {strides = array<i32>} : memref<1000x128xf32, #tpu.memory_space<vmem>>, vector<16xf32>,
      tpu.vector_store %arg7[%swap3A_396, %swap3A_397], %broadcast_in_dim3A_6 {strides = array<i32>} : memref<1000x128xf32, #tpu.memory_space<vmem>>, vector<16xf32>,
      %mul3A_399 = arith.constant 8 : i32
      %mul3A_400 = arith.muli %scan3A_21, %mul3A_399 : i32
      %add3A_401 = arith.constant 6 : i32
      %add3A_402 = arith.addi %mul3A_400, %add3A_401 : i32
      %swap3A_403 = arith.index_cast %add3A_402 : i32 to index
      %swap3A_404 = arith.constant 96 : index
      %swap3A_405 = tpu.vector_load %arg7[%swap3A_403, %swap3A_404] {strides = array<i32>} : memref<1000x128xf32, #tpu.memory_space<vmem>>, vector<16xf32>,
      tpu.vector_store %arg7[%swap3A_403, %swap3A_404], %broadcast_in_dim3A_6 {strides = array<i32>} : memref<1000x128xf32, #tpu.memory_space<vmem>>, vector<16xf32>,
      %mul3A_406 = arith.constant 8 : i32
      %mul3A_407 = arith.muli %scan3A_21, %mul3A_406 : i32
      %add3A_408 = arith.constant 6 : i32
      %add3A_409 = arith.addi %mul3A_407, %add3A_408 : i32
      %swap3A_410 = arith.index_cast %add3A_409 : i32 to index
      %swap3A_411 = arith.constant 112 : index
      %swap3A_412 = tpu.vector_load %arg7[%swap3A_410, %swap3A_411] {strides = array<i32>} : memref<1000x128xf32, #tpu.memory_space<vmem>>, vector<16xf32>,
      tpu.vector_store %arg7[%swap3A_410, %swap3A_411], %broadcast_in_dim3A_6 {strides = array<i32>} : memref<1000x128xf32, #tpu.memory_space<vmem>>, vector<16xf32>,
      %mul3A_413 = arith.constant 8 : i32
      %mul3A_414 = arith.muli %scan3A_21, %mul3A_413 : i32
      %add3A_415 = arith.constant 7 : i32
      %add3A_416 = arith.addi %mul3A_414, %add3A_415 : i32
      %swap3A_417 = arith.index_cast %add3A_416 : i32 to index
      %swap3A_418 = arith.constant 0 : index
      %swap3A_419 = tpu.vector_load %arg7[%swap3A_417, %swap3A_418] {strides = array<i32>} : memref<1000x128xf32, #tpu.memory_space<vmem>>, vector<16xf32>,
      tpu.vector_store %arg7[%swap3A_417, %swap3A_418], %broadcast_in_dim3A_6 {strides = array<i32>} : memref<1000x128xf32, #tpu.memory_space<vmem>>, vector<16xf32>,
      %mul3A_420 = arith.constant 8 : i32
      %mul3A_421 = arith.muli %scan3A_21, %mul3A_420 : i32
      %add3A_422 = arith.constant 7 : i32
      %add3A_423 = arith.addi %mul3A_421, %add3A_422 : i32
      %swap3A_424 = arith.index_cast %add3A_423 : i32 to index
      %swap3A_425 = arith.constant 16 : index
      %swap3A_426 = tpu.vector_load %arg7[%swap3A_424, %swap3A_425] {strides = array<i32>} : memref<1000x128xf32, #tpu.memory_space<vmem>>, vector<16xf32>,
      tpu.vector_store %arg7[%swap3A_424, %swap3A_425], %broadcast_in_dim3A_6 {strides = array<i32>} : memref<1000x128xf32, #tpu.memory_space<vmem>>, vector<16xf32>,
      %mul3A_427 = arith.constant 8 : i32
      %mul3A_428 = arith.muli %scan3A_21, %mul3A_427 : i32
      %add3A_429 = arith.constant 7 : i32
      %add3A_430 = arith.addi %mul3A_428, %add3A_429 : i32
      %swap3A_431 = arith.index_cast %add3A_430 : i32 to index
      %swap3A_432 = arith.constant 32 : index
      %swap3A_433 = tpu.vector_load %arg7[%swap3A_431, %swap3A_432] {strides = array<i32>} : memref<1000x128xf32, #tpu.memory_space<vmem>>, vector<16xf32>,
      tpu.vector_store %arg7[%swap3A_431, %swap3A_432], %broadcast_in_dim3A_6 {strides = array<i32>} : memref<1000x128xf32, #tpu.memory_space<vmem>>, vector<16xf32>,
      %mul3A_434 = arith.constant 8 : i32
      %mul3A_435 = arith.muli %scan3A_21, %mul3A_434 : i32
      %add3A_436 = arith.constant 7 : i32
      %add3A_437 = arith.addi %mul3A_435, %add3A_436 : i32
      %swap3A_438 = arith.index_cast %add3A_437 : i32 to index
      %swap3A_439 = arith.constant 48 : index
      %swap3A_440 = tpu.vector_load %arg7[%swap3A_438, %swap3A_439] {strides = array<i32>} : memref<1000x128xf32, #tpu.memory_space<vmem>>, vector<16xf32>,
      tpu.vector_store %arg7[%swap3A_438, %swap3A_439], %broadcast_in_dim3A_6 {strides = array<i32>} : memref<1000x128xf32, #tpu.memory_space<vmem>>, vector<16xf32>,
      %mul3A_441 = arith.constant 8 : i32
      %mul3A_442 = arith.muli %scan3A_21, %mul3A_441 : i32
      %add3A_443 = arith.constant 7 : i32
      %add3A_444 = arith.addi %mul3A_442, %add3A_443 : i32
      %swap3A_445 = arith.index_cast %add3A_444 : i32 to index
      %swap3A_446 = arith.constant 64 : index
      %swap3A_447 = tpu.vector_load %arg7[%swap3A_445, %swap3A_446] {strides = array<i32>} : memref<1000x128xf32, #tpu.memory_space<vmem>>, vector<16xf32>,
      tpu.vector_store %arg7[%swap3A_445, %swap3A_446], %broadcast_in_dim3A_6 {strides = array<i32>} : memref<1000x128xf32, #tpu.memory_space<vmem>>, vector<16xf32>,
      %mul3A_448 = arith.constant 8 : i32
      %mul3A_449 = arith.muli %scan3A_21, %mul3A_448 : i32
      %add3A_450 = arith.constant 7 : i32
      %add3A_451 = arith.addi %mul3A_449, %add3A_450 : i32
      %swap3A_452 = arith.index_cast %add3A_451 : i32 to index
      %swap3A_453 = arith.constant 80 : index
      %swap3A_454 = tpu.vector_load %arg7[%swap3A_452, %swap3A_453] {strides = array<i32>} : memref<1000x128xf32, #tpu.memory_space<vmem>>, vector<16xf32>,
      tpu.vector_store %arg7[%swap3A_452, %swap3A_453], %broadcast_in_dim3A_6 {strides = array<i32>} : memref<1000x128xf32, #tpu.memory_space<vmem>>, vector<16xf32>,
      %mul3A_455 = arith.constant 8 : i32
      %mul3A_456 = arith.muli %scan3A_21, %mul3A_455 : i32
      %add3A_457 = arith.constant 7 : i32
      %add3A_458 = arith.addi %mul3A_456, %add3A_457 : i32
      %swap3A_459 = arith.index_cast %add3A_458 : i32 to index
      %swap3A_460 = arith.constant 96 : index
      %swap3A_461 = tpu.vector_load %arg7[%swap3A_459, %swap3A_460] {strides = array<i32>} : memref<1000x128xf32, #tpu.memory_space<vmem>>, vector<16xf32>,
      tpu.vector_store %arg7[%swap3A_459, %swap3A_460], %broadcast_in_dim3A_6 {strides = array<i32>} : memref<1000x128xf32, #tpu.memory_space<vmem>>, vector<16xf32>,
      %mul3A_462 = arith.constant 8 : i32
      %mul3A_463 = arith.muli %scan3A_21, %mul3A_462 : i32
      %add3A_464 = arith.constant 7 : i32
      %add3A_465 = arith.addi %mul3A_463, %add3A_464 : i32
      %swap3A_466 = arith.index_cast %add3A_465 : i32 to index
      %swap3A_467 = arith.constant 112 : index
      %swap3A_468 = tpu.vector_load %arg7[%swap3A_466, %swap3A_467] {strides = array<i32>} : memref<1000x128xf32, #tpu.memory_space<vmem>>, vector<16xf32>,
      tpu.vector_store %arg7[%swap3A_466, %swap3A_467], %broadcast_in_dim3A_6 {strides = array<i32>} : memref<1000x128xf32, #tpu.memory_space<vmem>>, vector<16xf32>,
    }
    %scan3A_11 = arith.constant 125 : i32
    %dma_wait3A = tpu.memref_slice %arg2[%mul3A_2] : memref<16384xi32, #tpu.memory_space<hbm>> -> memref<512xi32, #tpu.memory_space<hbm>>
    %dma_wait3A_12 = tpu.memref_slice %arg2[%mul3A_2] : memref<16384xi32, #tpu.memory_space<hbm>> -> memref<512xi32, #tpu.memory_space<hbm>>
    tpu.wait_dma2 semaphore(%arg8 : memref<!tpu.dma_semaphore, #tpu.memory_space<semaphore_mem>>) src(%dma_wait3A_12 : memref<512xi32, #tpu.memory_space<hbm>>) dst(%arg5 : memref<512xi32, #tpu.memory_space<vmem>>)
    %dma_wait3A_13 = tpu.memref_slice %arg3[%mul3A_2] : memref<16384xf32, #tpu.memory_space<hbm>> -> memref<512xf32, #tpu.memory_space<hbm>>
    %dma_wait3A_14 = tpu.memref_slice %arg3[%mul3A_2] : memref<16384xf32, #tpu.memory_space<hbm>> -> memref<512xf32, #tpu.memory_space<hbm>>
    tpu.wait_dma2 semaphore(%arg8 : memref<!tpu.dma_semaphore, #tpu.memory_space<semaphore_mem>>) src(%dma_wait3A_14 : memref<512xf32, #tpu.memory_space<hbm>>) dst(%arg6 : memref<512xf32, #tpu.memory_space<vmem>>)
    %scan3A_15 = arith.constant 0 : i32
    %scan3A_16 = arith.constant 0 : i32
    %scan3A_17 = arith.constant 4 : i32
    %scan3A_18 = arith.addi %scan3A_16, %scan3A_17 : i32
    %scan3A_19 = arith.constant 1 : i32
    scf.for %scan3A_21 = %scan3A_16 to %scan3A_18 step %scan3A_19  : i32 {
      %scan3A_22 = arith.constant 0 : i32
      %scan3A_23 = arith.constant 0 : i32
      %scan3A_24 = arith.constant 8 : i32
      %scan3A_25 = arith.addi %scan3A_23, %scan3A_24 : i32
      %scan3A_26 = arith.constant 1 : i32
      scf.for %scan3A_37 = %scan3A_23 to %scan3A_25 step %scan3A_26  : i32 {
        %mul3A_38 = arith.constant 128 : i32
        %mul3A_39 = arith.muli %scan3A_21, %mul3A_38 : i32
        %mul3A_40 = arith.constant 16 : i32
        %mul3A_41 = arith.muli %scan3A_37, %mul3A_40 : i32
        %add3A_42 = arith.addi %mul3A_39, %mul3A_41 : i32
        %get3A = arith.index_cast %add3A_42 : i32 to index
        %get3A_43 = tpu.vector_load %arg5[%get3A] {strides = array<i32>} : memref<512xi32, #tpu.memory_space<vmem>>, vector<16xi32>,
        %get3A_44 = arith.index_cast %add3A_42 : i32 to index
        %get3A_45 = tpu.vector_load %arg6[%get3A_44] {strides = array<i32>} : memref<512xf32, #tpu.memory_space<vmem>>, vector<16xf32>,
        %mul3A_46 = arith.constant 16 : i32
        %mul3A_47 = arith.muli %scan3A_37, %mul3A_46 : i32
        %add3A_48 = vector.broadcast %mul3A_47 : i32 to vector<16xi32>
        %add3A_49 = arith.addi %add3A_48, %iota3A : vector<16xi32>
        %ne3A = arith.constant 0 : i32
        %ne3A_50 = vector.broadcast %ne3A : i32 to vector<16xi32>
        %ne3A_51 = arith.cmpi ne, %get3A_43, %ne3A_50 : vector<16xi32>
        tpu.vector_store_idx %arg7[%get3A_43, %add3A_49], %get3A_45 masked %ne3A_51 : memref<1000x128xf32, #tpu.memory_space<vmem>>[vector<16xi32>, vector<16xi32>], vector<16xf32>, vector<16xi1>
      }
      %scan3A_27 = arith.constant 8 : i32
      %mul3A_28 = arith.constant 128 : i32
      %mul3A_29 = arith.muli %scan3A_21, %mul3A_28 : i32
      %add3A_30 = arith.addi %mul3A_2, %mul3A_29 : i32
      "tpu.region"() ({
        %run_scoped3A = tpu.sem_alloc : memref<!tpu.dma_semaphore, #tpu.memory_space<semaphore_mem>>
        %dma_start3A_37 = arith.constant 0 : i32
        %dma_start3A_38 = tpu.memref_slice %arg4[%dma_start3A_37, %add3A_30] : memref<1000x16384xf32, #tpu.memory_space<hbm>> -> memref<1000x128xf32, #tpu.memory_space<hbm>>
        %dma_start3A_39 = arith.constant 0 : i32
        %dma_start3A_40 = tpu.memref_slice %arg4[%dma_start3A_39, %add3A_30] : memref<1000x16384xf32, #tpu.memory_space<hbm>> -> memref<1000x128xf32, #tpu.memory_space<hbm>>
        tpu.enqueue_dma source(%arg7 : memref<1000x128xf32, #tpu.memory_space<vmem>>) target(%dma_start3A_40 : memref<1000x128xf32, #tpu.memory_space<hbm>>) target_semaphore(%run_scoped3A : memref<!tpu.dma_semaphore, #tpu.memory_space<semaphore_mem>>)
        %dma_wait3A_41 = arith.constant 0 : i32
        %dma_wait3A_42 = tpu.memref_slice %arg4[%dma_wait3A_41, %add3A_30] : memref<1000x16384xf32, #tpu.memory_space<hbm>> -> memref<1000x128xf32, #tpu.memory_space<hbm>>
        %dma_wait3A_43 = arith.constant 0 : i32
        %dma_wait3A_44 = tpu.memref_slice %arg4[%dma_wait3A_43, %add3A_30] : memref<1000x16384xf32, #tpu.memory_space<hbm>> -> memref<1000x128xf32, #tpu.memory_space<hbm>>
        tpu.wait_dma2 semaphore(%run_scoped3A : memref<!tpu.dma_semaphore, #tpu.memory_space<semaphore_mem>>) src(%arg7 : memref<1000x128xf32, #tpu.memory_space<vmem>>) dst(%dma_wait3A_44 : memref<1000x128xf32, #tpu.memory_space<hbm>>)
        tpu.yield
      }) : () -> ()
      %scan3A_31 = arith.constant 0 : i32
      %scan3A_32 = arith.constant 0 : i32
      %scan3A_33 = arith.constant 8 : i32
      %scan3A_34 = arith.addi %scan3A_32, %scan3A_33 : i32
      %scan3A_35 = arith.constant 1 : i32
      scf.for %scan3A_37 = %scan3A_32 to %scan3A_34 step %scan3A_35  : i32 {
        %mul3A_38 = arith.constant 128 : i32
        %mul3A_39 = arith.muli %scan3A_21, %mul3A_38 : i32
        %mul3A_40 = arith.constant 16 : i32
        %mul3A_41 = arith.muli %scan3A_37, %mul3A_40 : i32
        %add3A_42 = arith.addi %mul3A_39, %mul3A_41 : i32
        %get3A = arith.index_cast %add3A_42 : i32 to index
        %get3A_43 = tpu.vector_load %arg5[%get3A] {strides = array<i32>} : memref<512xi32, #tpu.memory_space<vmem>>, vector<16xi32>,
        %mul3A_44 = arith.constant 16 : i32
        %mul3A_45 = arith.muli %scan3A_37, %mul3A_44 : i32
        %add3A_46 = vector.broadcast %mul3A_45 : i32 to vector<16xi32>
        %add3A_47 = arith.addi %add3A_46, %iota3A : vector<16xi32>
        %ne3A = arith.constant 0 : i32
        %ne3A_48 = vector.broadcast %ne3A : i32 to vector<16xi32>
        %ne3A_49 = arith.cmpi ne, %get3A_43, %ne3A_48 : vector<16xi32>
        tpu.vector_store_idx %arg7[%get3A_43, %add3A_47], %broadcast_in_dim3A_6 masked %ne3A_49 : memref<1000x128xf32, #tpu.memory_space<vmem>>[vector<16xi32>, vector<16xi32>], vector<16xf32>, vector<16xi1>
      }
      %scan3A_36 = arith.constant 8 : i32
    }
    %scan3A_20 = arith.constant 4 : i32
    return
  }
}

</mosaic_0001>

<sc_bundles>
// kernel: kernel.3.cloned.1.call-start
scs
__scs_entry_jumppad:
0x0: {  	(pc) =	sbr.rel $0x88, $3  }
0x1: {  	(tag) =	ssettag $0x0;
	lr =	simm.s32 $0x1  }
0x2: {  	[smem:$0x3F9F] =	sst lr;
	_ =	strace $0xD0000000  }
0x3: {  	_ = 	snop  }
0x4: {  	_ = 	snop  }
0x5: {  	_ = 	snop  }
0x6: {  	_ = 	snop  }
0x7: {  	_ = 	snop  }
__scs_overlays_trampoline_lowered:
0x8: {  	[smem:$0x3FAE] =	sst s0  }
0x9: {  	[smem:$0x3FAF] =	sst s1  }
0xa: {  	[smem:$0x3FB0] =	sst s2  }
0xb: {  	[smem:$0x3FB1] =	sst s3  }
0xc: {  	[smem:$0x3FB2] =	sst s4  }
0xd: {  	[smem:$0x3FB3] =	sst s5  }
0xe: {  	[smem:$0x3FB4] =	sst s6  }
0xf: {  	[smem:$0x3FB5] =	sst s7  }
0x10: {  	[smem:$0x3FB6] =	sst s8  }
0x11: {  	[smem:$0x3FB7] =	sst s9;
	s0 =	simm.s32 @!p0 $0x0  }
0x12: {  	s1 =	sld [smem:$0x3F9D];
	s0 =	simm.s32 @p0 $0x1  }
0x13: {  	[smem:$0x3FB8] =	sst s0;
	s0 =	simm.s32 @!p1 $0x0  }
0x14: {  	s2 =	sld [smem:$0x3F9C];
	s0 =	simm.s32 @p1 $0x1  }
0x15: {  	[smem:$0x3FB9] =	sst s0;
	s0 =	simm.s32 @!p2 $0x0  }
0x16: {  	s3 =	sld [smem:$0x3FDB];
	s0 =	simm.s32 @p2 $0x1  }
0x17: {  	s4 =	simm.s32 $0x1BF5;
	[smem:$0x3FBB] =	sst s0  }
0x18: {  	s0 =	sld [smem:$0x3F9E];
	_ =	swait.ge [sflag:s4], $0x0  }
0x19: {  	s7 =	sld [smem:$0x3F9F]  }
0x1a: {  	s8 =	sadd.s32 $0xFFFFE003, lr  }
0x1b: {  	s9 =	sadd.s32 $0xFFFFFEF7, lr;
	s5 =	simm.s32 $0xFFFFFFFF;
	p2 =	slt.u32 s8, $0xFFFFF086  }
0x1c: {  	p1 =	slt.u32 s9, $0xF7A;
	s5 =	simm.s32 @!p2 $0x0  }
0x1d: {  	s5 =	simm.s32 @p1 $0x1;
	p0 =	seq.s32 s7, s2  }
0x1e: {  	s7 =	smul.u32 @!p0 $0xF7A, s2;
	p2 =	seq.s32 @!p0 s5, $0x0  }
0x1f: {  	s9 =	smul.u32 $0xF7A, s1;
	s8 =	simm.s32 @!p0 $0x1BF5;
	p2 =	por !p2, p0  }
0x20: {  	[sflag:s8] =	ssyncset.s32 @!p0 $0xFFFFF086;
	s6 =	sadd.s32 @!p0 s3, s7;
	s7 =	simm.s32 @!p0 $0x108  }
0x21: {  	s3 =	sadd.s32 s3, s9;
	s6 =	sadd.s32 @!p0 $0x88, s6;
	s7 =	simm.s32 @p2 $0x1082  }
0x22: {  	[simem:s7], [sflag:s8] =	dma.local @!p0 [hbm:s6], $0xF7A  }
0x23: {  	s9 =	sor.u32 $0xD0000000, s2;
	s6 =	simm.s32 $0x108;
	_ =	swait.ge @!p0 [sflag:s8], $0x0  }
0x24: {  	s3 =	sadd.s32 $0x88, s3;
	s6 =	simm.s32 @!p1 $0x1082;
	[sflag:s4] =	ssyncset.s32 $0xFFFFF086  }
0x25: {  	[simem:s6], [sflag:s4] =	dma.local [hbm:s3], $0xF7A  }
0x26: {  	[smem:$0x3F9F] =	sst s1;
	(tag) =	ssettag s2;
	_ =	strace s9  }
0x27: {  	s1 =	sld [smem:$0x3FAF]  }
0x28: {  	s2 =	sld [smem:$0x3FB0]  }
0x29: {  	s4 =	sld [smem:$0x3FB2]  }
0x2a: {  	p0 =	seq.s32 s5, $0x0;
	s5 =	sld [smem:$0x3FB3]  }
0x2b: {  	s6 =	sld [smem:$0x3FB4]  }
0x2c: {  	s7 =	sld [smem:$0x3FB5]  }
0x2d: {  	s3 =	simm.s32 $0x108;
	s8 =	sld [smem:$0x3FB6]  }
0x2e: {  	s3 =	simm.s32 @!p0 $0x1082;
	s9 =	sld [smem:$0x3FB7]  }
0x2f: {  	lr =	sadd.s32 s0, s3;
	s0 =	sld [smem:$0x3FAE]  }
0x30: {  	s3 =	sld [smem:$0x3FB1]  }
0x31: {  	[smem:$0x3FBA] =	sst s10  }
0x32: {  	s10 =	sld [smem:$0x3FB8];
	_ =	sdelay $0x3  }
0x33: {  	p0 =	seq.s32 s10, $0x1;
	s10 =	sld [smem:$0x3FBA];
	_ =	sdelay $0x3  }
0x34: {  	[smem:$0x3FBA] =	sst s10  }
0x35: {  	s10 =	sld [smem:$0x3FB9];
	_ =	sdelay $0x3  }
0x36: {  	p1 =	seq.s32 s10, $0x1;
	s10 =	sld [smem:$0x3FBA];
	_ =	sdelay $0x3  }
0x37: {  	[smem:$0x3FBA] =	sst s10  }
0x38: {  	s10 =	sld [smem:$0x3FBB]  }
0x39: {  	_ = 	snop;
	(pc) =	sbr.ind lr, $3  }
0x3a: {  	_ = 	snop  }
0x3b: {  	_ = 	snop  }
0x3c: {  	p2 =	seq.s32 s10, $0x1;
	s10 =	sld [smem:$0x3FBA]  }
0x3d: {  	_ =	shalt  }
0x3e: {  	_ =	shalt  }
0x3f: {  	_ =	shalt  }
0x40: {  	_ =	shalt  }
0x41: {  	_ =	shalt  }
0x42: {  	_ =	shalt  }
0x43: {  	_ =	shalt  }
0x44: {  	_ =	shalt  }
0x45: {  	_ =	shalt  }
0x46: {  	_ =	shalt  }
0x47: {  	_ =	shalt  }
0x48: {  	_ =	shalt  }
0x49: {  	_ =	shalt  }
0x4a: {  	_ =	shalt  }
0x4b: {  	_ =	shalt  }
0x4c: {  	_ =	shalt  }
0x4d: {  	_ =	shalt  }
0x4e: {  	_ =	shalt  }
0x4f: {  	_ =	shalt  }
0x50: {  	_ =	shalt  }
0x51: {  	_ =	shalt  }
0x52: {  	_ =	shalt  }
0x53: {  	_ =	shalt  }
0x54: {  	_ =	shalt  }
0x55: {  	_ =	shalt  }
0x56: {  	_ =	shalt  }
0x57: {  	_ =	shalt  }
0x58: {  	_ =	shalt  }
0x59: {  	_ =	shalt  }
0x5a: {  	_ =	shalt  }
0x5b: {  	_ =	shalt  }
0x5c: {  	_ =	shalt  }
0x5d: {  	_ =	shalt  }
0x5e: {  	_ =	shalt  }
0x5f: {  	_ =	shalt  }
0x60: {  	_ =	shalt  }
0x61: {  	_ =	shalt  }
0x62: {  	_ =	shalt  }
0x63: {  	_ =	shalt  }
0x64: {  	_ =	shalt  }
0x65: {  	_ =	shalt  }
0x66: {  	_ =	shalt  }
0x67: {  	_ =	shalt  }
0x68: {  	_ =	shalt  }
0x69: {  	_ =	shalt  }
0x6a: {  	_ =	shalt  }
0x6b: {  	_ =	shalt  }
0x6c: {  	_ =	shalt  }
0x6d: {  	_ =	shalt  }
0x6e: {  	_ =	shalt  }
0x6f: {  	_ =	shalt  }
0x70: {  	_ =	shalt  }
0x71: {  	_ =	shalt  }
0x72: {  	_ =	shalt  }
0x73: {  	_ =	shalt  }
0x74: {  	_ =	shalt  }
0x75: {  	_ =	shalt  }
0x76: {  	_ =	shalt  }
0x77: {  	_ =	shalt  }
0x78: {  	_ =	shalt  }
0x79: {  	_ =	shalt  }
0x7a: {  	_ =	shalt  }
0x7b: {  	_ =	shalt  }
0x7c: {  	_ =	shalt  }
0x7d: {  	_ =	shalt  }
0x7e: {  	_ =	shalt  }
0x7f: {  	_ =	shalt  }
0x80: {  	_ =	shalt  }
0x81: {  	_ =	shalt  }
0x82: {  	_ =	shalt  }
0x83: {  	_ =	shalt  }
0x84: {  	_ =	shalt  }
0x85: {  	_ =	shalt  }
0x86: {  	_ =	shalt  }
0x87: {  	_ =	shalt  }
.Lfunc_end0:
.L_simem_size_0:
called_computation_lowered:
.L_overlay_start_0:
0x88: {  	s2 =	sld [smem:$0x3FD9]  }
0x89: {  	s3 =	sld [smem:$0x3FFE];
	_ =	sdelay $0x1  }
0x8a: {  	s1 =	srdreg.scid  }
0x8b: {  	s0 =	sand.u32 $0x1, s1  }
0x8c: {  	s18 =	sshll.u32 s0, $0xA;
	s2 =	sadd.s32 s3, s2  }
0x8d: {  	s2 =	sadd.s32 s2, s18  }
0x8e: {  	[smem:$0x3FC6] =	sst s2  }
0x8f: {  	_ = 	snop  }
0x90: {  	s2 =	sld [smem:$0x3FC9]  }
0x91: {  	s19 =	sld [smem:$0x3FC8]  }
0x92: {  	s4 =	sld [smem:$0x3FD0];
	(tm) =	ssettm $0x1  }
0x93: {  	s5 =	sld [smem:$0x3FFB];
	_ =	sdelay $0x3  }
0x94: {  	_ =	strace s5  }
0x95: {  	s5 =	sld [smem:$0x3FFC];
	_ =	sdelay $0x3  }
0x96: {  	_ =	strace s5  }
0x97: {  	s5 =	sld [smem:$0x3FFD];
	_ =	sdelay $0x3  }
0x98: {  	_ =	strace s5  }
0x99: {  	_ =	strace $0x8FFFFFFF  }
0x9a: {  	s20 =	sld [smem:$0x3FDB];
	_ =	sdelay $0x1  }
0x9b: {  	s6 =	simm.s32 $_scs_section_size  }
0x9c: {  	s7 =	simm.s32 $_size__tile_overlayer_lowered;
	s8 =	simm.s32 $_tile_overlayer_lowered  }
0x9d: {  	s23 =	simm.s32 $0x1BFF;
	s22 =	sshll.u32 s8, $0x1;
	s5 =	sadd.s32 s6, s20  }
0x9e: {  	s9 =	simm.s32 $0x0;
	s21 =	sshll.u32 s7, $0x1;
	s7 =	sadd.s32 s22, s5  }
0x9f: {  	[timem:s9], [sflag:s23] =	dma.local [hbm:s7], s21  }
0xa0: {  	_ =	swait.ge [sflag:s23], s21  }
0xa1: {  	s6 =	ssub.s32 $0x0, s21;
	[sflag:s23] =	ssyncset.done $0x0  }
0xa2: {  	[sflag:s23] =	ssyncadd.s32 s6;
	_ =	sdelay $0x1  }
0xa3: {  	s24 =	simm.s32 $0x1B8B  }
0xa4: {  	_ =	swait.ge [sflag:s24], $0x1  }
0xa5: {  	[sflag:s24] =	ssyncset.done $0x0  }
0xa6: {  	s25 =	simm.s32 $0x1B8E;
	[sflag:s24] =	ssyncadd.s32 $0xFFFFFFFF  }
0xa7: {  	s26 =	simm.s32 $execute0_lowered;
	[smem:$0x3FD2] =	sst s25  }
0xa8: {  	s6 =	sshll.u32 s26, $0x1;
	_ =	strace $0x80000046;
	[dreg:$0x1] =	wrdreg $0xFFFFFFFF  }
0xa9: {  	s28 =	simm.s32 $_size_execute0_lowered;
	s5 =	sadd.s32 s5, s6;
	[dreg:$0x0] =	wrdreg $0x0  }
0xaa: {  	s6 =	sshll.u32 s28, $0x1;
	[dreg:$0x2] =	wrdreg s5  }
0xab: {  	[dreg:$0x3] =	wrdreg s6  }
0xac: {  	[dreg:$0x4] =	wrdreg $0xC0  }
0xad: {  	_ =	task [dreg:s9], $0x5FFFF  }
0xae: {  	[dreg:$0x1] =	wrdreg $0xFFFFFFFF  }
0xaf: {  	[dreg:$0x0] =	wrdreg $0x60  }
0xb0: {  	[dreg:$0x2] =	wrdreg s2  }
0xb1: {  	[dreg:$0x3] =	wrdreg s19  }
0xb2: {  	[dreg:$0x4] =	wrdreg s4  }
0xb3: {  	[dreg:$0x5] =	wrdreg $0x9  }
0xb4: {  	_ =	task.clear_ibuf [dreg:s9], $0x6FFFF;
	_ =	strace $0x90000046  }
0xb5: {  	s29 =	simm.s32 $0x9;
	_ =	strace $0x80000048  }
0xb6: {  	_ =	swait.ge [sflag:s29], $0x1  }
0xb7: {  	[sflag:s29] =	ssyncadd.s32 $0xFFFFFFFF  }
0xb8: {  	_ =	strace $0x90000048  }
0xb9: {  	_ =	sfence  }
0xba: {  	s30 =	sld [smem:$0x0];
	_ =	sdelay $0x2  }
0xbb: {  	s31 =	sshll.u32 s1, $0xD;
	s1 =	sshrl.u32 s1, $0x2  }
0xbc: {  	s3 =	sand.u32 $0x4000, s31;
	s1 =	sadd.s32 s1, s30  }
0xbd: {  	s0 =	sor.u32 s3, s0;
	s1 =	sshll.u32 s1, $0x11  }
0xbe: {  	s0 =	sor.u32 s1, s0  }
0xbf: {  	s0 =	sadd.s32 $0x8F2B, s0  }
0xc0: {  	[sflag:s0] =	ssyncadd.remote.s32 $0x1  }
0xc1: {  	_ =	sfence.sel $0xFFFF  }
0xc2: {  	[dreg:$0x0] =	wrdreg $0xFFFFFFFF;
	(pc) =	sbr.abs _section_cstart, $3  }
0xc3: {  	[dreg:$0x1] =	wrdreg $0xFFFFFFFF  }
0xc4: {  	_ =	task.clear_ibuf [dreg:s9], $0x2FFFF;
	_ =	strace $0x9FFFFFFF  }
0xc5: {  	(tm) =	ssettm $0x7FFFFFFF  }
tec
execute0_lowered:
.L_overlay_start_1:
0x0: {  	(tag) =	ssettag $0x1  }
0x1: {  	s3 =	rddreg [dreg:$0x0]  }
0x2: {  	s4 =	rddreg [dreg:$0x1];
	s0 =	srdreg.scid  }
0x3: {  	s5 =	rddreg [dreg:$0x2];
	s1 =	stileid.u32;
	s2 =	simm.s32 $0x0  }
0x4: {  	s10 =	simm.s32 $0x20000;
	s11 =	simm.s32 $0x2;
	s12 =	simm.s32 $0x0  }
0x5: {  	s6 =	sand.u32 $0x1, s0;
	s0 =	rddreg [dreg:$0x3];
	s7 =	sshll.u32 s1, $0xA  }
0x6: {  	[smem:$0x7FF] =	sst s2;
	s8 =	sshll.u32 s6, $0x9;
	s6 =	ssub.s32 $0x2, s6  }
0x7: {  	_ =	strace $0x80000047;
	s7 =	sor.u32 s8, s7;
	s31 =	sshrl.u32 s6, $0x1  }
0x8: {  	s8 =	simm.s32 $0x1;
	s9 =	sshrl.u32 s7, $0x3;
	s6 =	ssub.s32 s6, s31  }
0x9: {  	s5 =	sadd.s32 s5, s7;
	s7 =	simm.s32 $0x200;
	s3 =	sadd.s32 s3, s9  }
0xa: {  	v0 =	vimm.f32 $0.0e+00;
	v1 =	vlaneseq.u32;
	s4 =	sadd.s32 s4, s9;
	s6 =	smax.u32 s6, $0x1;
	s9 =	simm.s32 $0x400  }
.LBB2_1:
0xb: {  	[tilespmem:s2], [sflag:$0x1] =	stream.linear.gather [hbm4b:s3+s2], $0x200, $0x38;
	[tilespmem:$0x1F800] =	vst v63  }
0xc: {  	s13 =	simm.s32 $0x0;
	s14 =	simm.s32 $0x1000  }
0xd: {  	[tilespmem:s7], [sflag:$0x1] =	stream.linear.gather [hbm4b:s4+s2], $0x200, $0x38;
	[tilespmem:$0x1F800] =	vst v63  }
.LBB2_2:
0xe: {  	p0 =	sne.s32 s14, $0x7C000;
	[tilespmem:s13+$0x7F0] =	vst v0  }
0xf: {  	[tilespmem:s13+$0x400] =	vst v0  }
0x10: {  	[tilespmem:s13+$0x410] =	vst v0  }
0x11: {  	[tilespmem:s13+$0x420] =	vst v0  }
0x12: {  	[tilespmem:s13+$0x430] =	vst v0  }
0x13: {  	[tilespmem:s13+$0x440] =	vst v0  }
0x14: {  	[tilespmem:s13+$0x450] =	vst v0  }
0x15: {  	[tilespmem:s13+$0x460] =	vst v0  }
0x16: {  	[tilespmem:s13+$0x470] =	vst v0  }
0x17: {  	[tilespmem:s13+$0x480] =	vst v0  }
0x18: {  	[tilespmem:s13+$0x490] =	vst v0  }
0x19: {  	[tilespmem:s13+$0x4A0] =	vst v0  }
0x1a: {  	[tilespmem:s13+$0x4B0] =	vst v0  }
0x1b: {  	[tilespmem:s13+$0x4C0] =	vst v0  }
0x1c: {  	[tilespmem:s13+$0x4D0] =	vst v0  }
0x1d: {  	[tilespmem:s13+$0x4E0] =	vst v0  }
0x1e: {  	[tilespmem:s13+$0x4F0] =	vst v0  }
0x1f: {  	[tilespmem:s13+$0x500] =	vst v0  }
0x20: {  	[tilespmem:s13+$0x510] =	vst v0  }
0x21: {  	[tilespmem:s13+$0x520] =	vst v0  }
0x22: {  	[tilespmem:s13+$0x530] =	vst v0  }
0x23: {  	[tilespmem:s13+$0x540] =	vst v0  }
0x24: {  	[tilespmem:s13+$0x550] =	vst v0  }
0x25: {  	[tilespmem:s13+$0x560] =	vst v0  }
0x26: {  	[tilespmem:s13+$0x570] =	vst v0  }
0x27: {  	[tilespmem:s13+$0x580] =	vst v0  }
0x28: {  	[tilespmem:s13+$0x590] =	vst v0  }
0x29: {  	[tilespmem:s13+$0x5A0] =	vst v0  }
0x2a: {  	[tilespmem:s13+$0x5B0] =	vst v0  }
0x2b: {  	[tilespmem:s13+$0x5C0] =	vst v0  }
0x2c: {  	[tilespmem:s13+$0x5D0] =	vst v0  }
0x2d: {  	[tilespmem:s13+$0x5E0] =	vst v0  }
0x2e: {  	[tilespmem:s13+$0x5F0] =	vst v0  }
0x2f: {  	[tilespmem:s13+$0x600] =	vst v0  }
0x30: {  	[tilespmem:s13+$0x610] =	vst v0  }
0x31: {  	[tilespmem:s13+$0x620] =	vst v0  }
0x32: {  	[tilespmem:s13+$0x630] =	vst v0  }
0x33: {  	[tilespmem:s13+$0x640] =	vst v0  }
0x34: {  	[tilespmem:s13+$0x650] =	vst v0  }
0x35: {  	[tilespmem:s13+$0x660] =	vst v0  }
0x36: {  	[tilespmem:s13+$0x670] =	vst v0  }
0x37: {  	[tilespmem:s13+$0x680] =	vst v0  }
0x38: {  	[tilespmem:s13+$0x690] =	vst v0  }
0x39: {  	[tilespmem:s13+$0x6A0] =	vst v0  }
0x3a: {  	[tilespmem:s13+$0x6B0] =	vst v0  }
0x3b: {  	[tilespmem:s13+$0x6C0] =	vst v0  }
0x3c: {  	[tilespmem:s13+$0x6D0] =	vst v0  }
0x3d: {  	[tilespmem:s13+$0x6E0] =	vst v0  }
0x3e: {  	[tilespmem:s13+$0x6F0] =	vst v0  }
0x3f: {  	[tilespmem:s13+$0x700] =	vst v0  }
0x40: {  	[tilespmem:s13+$0x710] =	vst v0  }
0x41: {  	[tilespmem:s13+$0x720] =	vst v0  }
0x42: {  	[tilespmem:s13+$0x730] =	vst v0  }
0x43: {  	[tilespmem:s13+$0x740] =	vst v0  }
0x44: {  	[tilespmem:s13+$0x750] =	vst v0  }
0x45: {  	[tilespmem:s13+$0x760] =	vst v0  }
0x46: {  	[tilespmem:s13+$0x770] =	vst v0  }
0x47: {  	[tilespmem:s13+$0x780] =	vst v0  }
0x48: {  	[tilespmem:s13+$0x790] =	vst v0  }
.Ltmp0:
0x49: {  	[tilespmem:s13+$0x7A0] =	vst v0;
	(pc) =	sbr.rel @p0 .LBB2_2-.Ltmp0, $4  }
0x4a: {  	[tilespmem:s13+$0x7B0] =	vst v0  }
0x4b: {  	[tilespmem:s13+$0x7C0] =	vst v0  }
0x4c: {  	[tilespmem:s13+$0x7D0] =	vst v0  }
0x4d: {  	[tilespmem:s13+$0x7E0] =	vst v0;
	s13 =	sshra.s32 s14, $0x2;
	s14 =	sadd.s32 $0x1000, s14  }
0x4e: {  	[tilespmem:s13+$0x7F0] =	vst v0  }
0x4f: {  	[tilespmem:s13+$0x400] =	vst v0  }
0x50: {  	[tilespmem:s13+$0x410] =	vst v0  }
0x51: {  	[tilespmem:s13+$0x420] =	vst v0  }
0x52: {  	[tilespmem:s13+$0x430] =	vst v0  }
0x53: {  	[tilespmem:s13+$0x440] =	vst v0  }
0x54: {  	[tilespmem:s13+$0x450] =	vst v0  }
0x55: {  	[tilespmem:s13+$0x460] =	vst v0  }
0x56: {  	[tilespmem:s13+$0x470] =	vst v0  }
0x57: {  	[tilespmem:s13+$0x480] =	vst v0  }
0x58: {  	[tilespmem:s13+$0x490] =	vst v0  }
0x59: {  	[tilespmem:s13+$0x4A0] =	vst v0  }
0x5a: {  	[tilespmem:s13+$0x4B0] =	vst v0  }
0x5b: {  	[tilespmem:s13+$0x4C0] =	vst v0  }
0x5c: {  	[tilespmem:s13+$0x4D0] =	vst v0  }
0x5d: {  	[tilespmem:s13+$0x4E0] =	vst v0  }
0x5e: {  	[tilespmem:s13+$0x4F0] =	vst v0  }
0x5f: {  	[tilespmem:s13+$0x500] =	vst v0  }
0x60: {  	[tilespmem:s13+$0x510] =	vst v0  }
0x61: {  	[tilespmem:s13+$0x520] =	vst v0  }
0x62: {  	[tilespmem:s13+$0x530] =	vst v0  }
0x63: {  	[tilespmem:s13+$0x540] =	vst v0  }
0x64: {  	[tilespmem:s13+$0x550] =	vst v0  }
0x65: {  	[tilespmem:s13+$0x560] =	vst v0  }
0x66: {  	[tilespmem:s13+$0x570] =	vst v0  }
0x67: {  	[tilespmem:s13+$0x580] =	vst v0  }
0x68: {  	[tilespmem:s13+$0x590] =	vst v0  }
0x69: {  	[tilespmem:s13+$0x5A0] =	vst v0  }
0x6a: {  	[tilespmem:s13+$0x5B0] =	vst v0  }
0x6b: {  	[tilespmem:s13+$0x5C0] =	vst v0  }
0x6c: {  	[tilespmem:s13+$0x5D0] =	vst v0  }
0x6d: {  	[tilespmem:s13+$0x5E0] =	vst v0  }
0x6e: {  	[tilespmem:s13+$0x5F0] =	vst v0  }
0x6f: {  	[tilespmem:s13+$0x600] =	vst v0  }
0x70: {  	[tilespmem:s13+$0x610] =	vst v0  }
0x71: {  	[tilespmem:s13+$0x620] =	vst v0  }
0x72: {  	[tilespmem:s13+$0x630] =	vst v0  }
0x73: {  	[tilespmem:s13+$0x640] =	vst v0  }
0x74: {  	[tilespmem:s13+$0x650] =	vst v0  }
0x75: {  	[tilespmem:s13+$0x660] =	vst v0  }
0x76: {  	[tilespmem:s13+$0x670] =	vst v0  }
0x77: {  	[tilespmem:s13+$0x680] =	vst v0  }
0x78: {  	[tilespmem:s13+$0x690] =	vst v0  }
0x79: {  	[tilespmem:s13+$0x6A0] =	vst v0  }
0x7a: {  	[tilespmem:s13+$0x6B0] =	vst v0  }
0x7b: {  	[tilespmem:s13+$0x6C0] =	vst v0  }
0x7c: {  	[tilespmem:s13+$0x6D0] =	vst v0  }
0x7d: {  	[tilespmem:s13+$0x6E0] =	vst v0  }
0x7e: {  	[tilespmem:s13+$0x6F0] =	vst v0  }
0x7f: {  	[tilespmem:s13+$0x700] =	vst v0  }
0x80: {  	[tilespmem:s13+$0x710] =	vst v0  }
0x81: {  	[tilespmem:s13+$0x720] =	vst v0  }
0x82: {  	[tilespmem:s13+$0x730] =	vst v0  }
0x83: {  	[tilespmem:s13+$0x740] =	vst v0  }
0x84: {  	[tilespmem:s13+$0x750] =	vst v0  }
0x85: {  	[tilespmem:s13+$0x760] =	vst v0  }
0x86: {  	[tilespmem:s13+$0x770] =	vst v0  }
0x87: {  	[tilespmem:s13+$0x780] =	vst v0  }
0x88: {  	[tilespmem:s13+$0x790] =	vst v0  }
0x89: {  	[tilespmem:s13+$0x7A0] =	vst v0  }
0x8a: {  	[tilespmem:s13+$0x7B0] =	vst v0  }
0x8b: {  	[tilespmem:s13+$0x7C0] =	vst v0  }
0x8c: {  	[tilespmem:s13+$0x7D0] =	vst v0  }
0x8d: {  	[tilespmem:s13+$0x7E0] =	vst v0  }
0x8e: {  	_ =	swait.ge [sflag:s8], $0x200  }
0x8f: {  	[sflag:s8] =	ssyncset.done $0x0  }
0x90: {  	[sflag:s8] =	ssyncadd.s32 $0xFFFFFE00  }
0x91: {  	_ =	swait.ge [sflag:s8], $0x200  }
0x92: {  	s13 =	simm.s32 $0x0;
	s14 =	simm.s32 $0x200;
	[sflag:s8] =	ssyncset.done $0x0  }
0x93: {  	s15 =	simm.s32 $0x0;
	s16 =	simm.s32 $0x0;
	[sflag:s8] =	ssyncadd.s32 $0xFFFFFE00  }
.LBB2_4:
0x94: {  	v2 =	vld [tilespmem:s15+$0x0];
	_ =	sdelay $0x4  }
0x95: {  	v3 =	vshll.u32 v2, $0x7  }
0x96: {  	vm0 =	vne.s32 v2, $0x0;
	v2 =	vadd.s32 s13, v3  }
0x97: {  	v3 =	vld [tilespmem:s14+$0x0];
	v2 =	vadd.s32 v1, v2;
	_ =	sdelay $0x4  }
0x98: {  	s18 =	sadd.s32 $0x10, s15;
	s17 =	sshll.u32 s16, $0x7;
	[tilespmem:v2+s9+$0x0] =	vst.idx.msk vm0, v3  }
0x99: {  	s19 =	simm.s32 $0x10;
	s21 =	simm.s32 $0x20;
	s20 =	smov.u32 s14;
	v2 =	vld [tilespmem:s18+$0x0]  }
.LBB2_5:
0x9a: {  	p0 =	sne.s32 s21, $0x70;
	_ =	sdelay $0x3  }
0x9b: {  	v3 =	vshll.u32 v2, $0x7  }
0x9c: {  	s20 =	sadd.s32 $0x10, s20;
	vm0 =	vne.s32 v2, $0x0;
	v2 =	vadd.s32 s19, v3;
	s19 =	smov.u32 s21  }
0x9d: {  	v3 =	vld [tilespmem:s20+$0x0];
	v2 =	vadd.s32 v1, v2;
	_ =	sdelay $0x1  }
.Ltmp1:
0x9e: {  	(pc) =	sbr.rel @p0 .LBB2_5-.Ltmp1, $3  }
0x9f: {  	_ =	sdelay $0x1  }
0xa0: {  	s18 =	sadd.s32 $0x10, s18;
	[tilespmem:v2+s9+$0x0] =	vst.idx.msk vm0, v3  }
0xa1: {  	s21 =	sadd.s32 $0x10, s21;
	v2 =	vld [tilespmem:s18+$0x0]  }
0xa2: {  	_ =	sdelay $0x3  }
0xa3: {  	v3 =	vshll.u32 v2, $0x7  }
0xa4: {  	s18 =	sadd.s32 $0x10, s20;
	vm0 =	vne.s32 v2, $0x0;
	v2 =	vadd.s32 s19, v3  }
0xa5: {  	v3 =	vld [tilespmem:s18+$0x0];
	v2 =	vadd.s32 v1, v2;
	_ =	sdelay $0x4  }
0xa6: {  	s17 =	sadd.s32 s17, s5;
	[tilespmem:v2+s9+$0x0] =	vst.idx.msk vm0, v3  }
0xa7: {  	[hbm4b:s17+s9] =	stream.strided.scatter [tilespmem:s9], [sflag:$0x2], $0x1F400, s10, s9, $0x38;
	[tilespmem:$0x1F800] =	vst v63  }
0xa8: {  	_ =	swait.ge [sflag:s11], $0x1F400  }
0xa9: {  	[sflag:s11] =	ssyncset.done $0x0  }
0xaa: {  	[sflag:s11] =	ssyncadd.s32 $0xFFFE0C00  }
0xab: {  	s18 =	simm.s32 $0x10;
	s19 =	smov.u32 s15;
	s17 =	simm.s32 $0x0;
	v2 =	vld [tilespmem:s15+$0x0]  }
.LBB2_7:
0xac: {  	p0 =	sne.s32 s18, $0x70;
	_ =	sdelay $0x3  }
0xad: {  	v3 =	vshll.u32 v2, $0x7  }
0xae: {  	vm0 =	vne.s32 v2, $0x0;
	v2 =	vadd.s32 s17, v3;
	s17 =	smov.u32 s18  }
0xaf: {  	v2 =	vadd.s32 v1, v2;
	_ =	sdelay $0x1  }
.Ltmp2:
0xb0: {  	(pc) =	sbr.rel @p0 .LBB2_7-.Ltmp2, $3  }
0xb1: {  	_ =	sdelay $0x1  }
0xb2: {  	s19 =	sadd.s32 $0x10, s19;
	[tilespmem:v2+s9+$0x0] =	vst.idx.msk vm0, v0  }
0xb3: {  	s18 =	sadd.s32 $0x10, s18;
	v2 =	vld [tilespmem:s19+$0x0]  }
0xb4: {  	_ =	sdelay $0x3  }
0xb5: {  	v3 =	vshll.u32 v2, $0x7  }
0xb6: {  	s16 =	sadd.s32 $0x1, s16;
	vm0 =	vne.s32 v2, $0x0;
	v2 =	vadd.s32 s17, v3  }
0xb7: {  	p0 =	sne.s32 s16, $0x4;
	v2 =	vadd.s32 v1, v2  }
.Ltmp3:
0xb8: {  	_ = 	snop;
	(pc) =	sbr.rel @p0 .LBB2_4-.Ltmp3, $2  }
0xb9: {  	_ =	sdelay $0x2  }
0xba: {  	s14 =	sadd.s32 $0x80, s14;
	s15 =	sadd.s32 $0x80, s15;
	[tilespmem:v2+s9+$0x0] =	vst.idx.msk vm0, v0  }
0xbb: {  	s12 =	sadd.s32 $0x1, s12  }
0xbc: {  	p0 =	sne.s32 s12, s6  }
.Ltmp4:
0xbd: {  	_ = 	snop;
	(pc) =	sbr.rel @p0 .LBB2_1-.Ltmp4, $1  }
0xbe: {  	_ =	sdelay $0x3  }
0xbf: {  	_ =	sfence.sel $0x180000  }
0xc0: {  	[bflag:$0x0] =	sbarrier.arrive $0xFFFF  }
0xc1: {  	p0 =	sne.s32 s1, $0x0;
	_ =	strace $0x90000047  }
0xc2: {  	s0 =	sadd.s32 @!p0 $0x100000, s0;
	[bflag:$0x2] =	sbarrier.arrive $0xFFFF  }
0xc3: {  	[sflag:s0] =	ssyncadd.tile.s32 @!p0 $0x1;
	_ =	shalt  }
.Lfunc_end2:
_tile_overlayer_lowered:
.L_overlay_start_2:
0xc4: {  	(tag) =	ssettag $0x2  }
0xc5: {  	s0 =	rddreg [dreg:$0x0];
	s2 =	stileid.u32  }
0xc6: {  	s1 =	rddreg [dreg:$0x1];
	p0 =	sne.s32 s2, $0x0  }
0xc7: {  	s3 =	rddreg [dreg:$0x2];
	[bflag:$0x3] =	sbarrier.arrive $0xFFFF;
	s2 =	simm.s32 @!p0 $0x1C02  }
0xc8: {  	[timem:s3], [sflag:s2] =	dma.local @!p0 [hbm:s0], s1  }
0xc9: {  	s0 =	simm.s32 @!p0 $0x2  }
0xca: {  	_ =	swait.ge @!p0 [sflag:s0], s1  }
0xcb: {  	s1 =	ssub.s32 @!p0 $0x0, s1;
	[sflag:s0] =	ssyncset.done @!p0 $0x0  }
0xcc: {  	[sflag:s0] =	ssyncadd.s32 @!p0 s1  }
0xcd: {  	[bflag:$0x3] =	sbarrier.arrive $0xFFFF  }
0xce: {  	_ =	shalt  }

</sc_bundles>
